<compile_context>
chip_gen: v7x
topology: tpu7x:2x2x1
jax: 0.10.2.dev20260603
libtpu: 0.0.44.dev20260713+nightly
codegen_flags: <defaults>
</compile_context>

<pallas_src>
import functools

import jax
import jax.numpy as jnp
from jax import lax
from jax.experimental import pallas as pl
from jax.experimental.pallas import tpu as pltpu
from jax.experimental.pallas import tpu_sc as plsc

f32 = jnp.float32
i32 = jnp.int32

NC = 2
NS = 16
NW = NC * NS

WV = 64
WROW = 128


def _k0_body(nodes_ref, wsa_ref, wsb_ref, pa_ref, pb_ref):
    n = nodes_ref[...]
    pa_ref[...] = jnp.dot(n, wsa_ref[...], preferred_element_type=f32)
    pb_ref[...] = jnp.dot(n, wsb_ref[...], preferred_element_type=f32)


def _make_gather(n, nd, e, chunk):
    ew = e // NW
    nch = ew // chunk
    assert ew * NW == e and nch * chunk == ew and chunk % 8 == 0

    mesh = plsc.VectorSubcoreMesh(core_axis_name="c", subcore_axis_name="s", num_cores=NC, num_subcores=NS)

    @functools.partial(
        pl.kernel,
        out_type=(jax.ShapeDtypeStruct((e, nd), f32),
                  jax.ShapeDtypeStruct((e, nd), f32)),
        mesh=mesh,
        scratch_types=[
            pltpu.VMEM((nch, chunk), i32),
            pltpu.VMEM((nch, chunk), i32),
            pltpu.VMEM((4, chunk, nd), f32),
            pltpu.VMEM((4, chunk, nd), f32),
            pltpu.SemaphoreType.DMA((4,)),
            pltpu.SemaphoreType.DMA((4,)),
        ],
    )
    def k1(pa, pb, sidx3, ridx3, gs, gr, sall, rall, arow3, brow3, sg, ss):
        cid = lax.axis_index("c")
        sid = lax.axis_index("s")
        wid = sid * NC + cid
        base = wid * ew

        pltpu.sync_copy(sidx3.at[wid], sall)
        pltpu.sync_copy(ridx3.at[wid], rall)

        def g_descs(g, p):
            return (pltpu.make_async_copy(pa.at[sall.at[g]], arow3.at[p],
                                          sg.at[p]),
                    pltpu.make_async_copy(pb.at[rall.at[g]], brow3.at[p],
                                          sg.at[p]))

        def s_descs(g, p):
            off = base + g * chunk
            return (pltpu.make_async_copy(arow3.at[p],
                                          gs.at[pl.ds(off, chunk)],
                                          ss.at[p]),
                    pltpu.make_async_copy(brow3.at[p],
                                          gr.at[pl.ds(off, chunk)],
                                          ss.at[p]))

        for gg in range(3):
            for d in g_descs(gg, gg):
                d.start()

        def body(g, carry):
            p = lax.rem(g, 4)
            pn = lax.rem(g + 3, 4)

            @pl.when(g >= 1)
            def _():
                for d in s_descs(g - 1, pn):
                    d.wait()

            @pl.when(g + 3 < nch)
            def _():
                for d in g_descs(g + 3, pn):
                    d.start()

            for d in g_descs(g, p):
                d.wait()
            for d in s_descs(g, p):
                d.start()
            return carry

        lax.fori_loop(0, nch, body, 0)
        for d in s_descs(nch - 1, (nch - 1) % 4):
            d.wait()

    return k1


def _k2_body(gs_ref, gr_ref, ed_ref, w1e_ref, b1a_ref, w1b_ref, b1b_ref,
             w2a_ref, b2a_ref, w2bt_ref, b2b_ref, w3a_ref, b3a_ref,
             w3b_ref, b3b_ref, out_ref):
    h = gs_ref[...] + gr_ref[...] + b1a_ref[...]
    h = h + jnp.dot(ed_ref[...], w1e_ref[...], preferred_element_type=f32)
    h = jnp.maximum(h, 0.0)
    q = jnp.maximum(jnp.dot(h, w1b_ref[...], preferred_element_type=f32)
                    + b1b_ref[...], 0.0)
    t = jnp.maximum(jnp.dot(q, w2a_ref[...], preferred_element_type=f32)
                    + b2a_ref[...], 0.0)
    w = jnp.sum(t * w2bt_ref[...], axis=1, keepdims=True) + b2b_ref[...]
    ex = jnp.exp(w)
    u = jnp.maximum(jnp.dot(q, w3a_ref[...], preferred_element_type=f32)
                    + b3a_ref[...], 0.0)
    v = jnp.maximum(jnp.dot(u, w3b_ref[...], preferred_element_type=f32)
                    + b3b_ref[...], 0.0)
    out_ref[:, :WV] = ex * v
    out_ref[:, WV:WROW] = jnp.broadcast_to(ex, (ex.shape[0], WROW - WV))


def _make_scatter(n_tab, e, chunk):
    ew = e // NW
    nch = ew // chunk
    rpt = n_tab // NS
    assert ew * NW == e and nch * chunk == ew and chunk % 8 == 0
    assert rpt * NS == n_tab and rpt % 8 == 0 and rpt % chunk == 0

    mesh = plsc.VectorSubcoreMesh(core_axis_name="c", subcore_axis_name="s", num_cores=NC, num_subcores=NS)

    @functools.partial(
        pl.kernel,
        out_type=jax.ShapeDtypeStruct((NC, n_tab, WROW), f32),
        mesh=mesh,
        scratch_types=[
            pltpu.VMEM((nch, chunk), i32),
            pltpu.VMEM((2, chunk, WROW), f32),
            pltpu.VMEM_SHARED((n_tab, WROW), f32),
            pltpu.SemaphoreType.DMA((2,)),
            pltpu.SemaphoreType.DMA((2,)),
        ],
    )
    def k3(ev, ridx3, out, iall, ebuf3, shared, sl, sc):
        cid = lax.axis_index("c")
        sid = lax.axis_index("s")
        wid = sid * NC + cid
        base = wid * ew

        zero16 = jnp.zeros((16,), f32)

        def zbody(ii, carry):
            for jj in range(WROW // 16):
                ebuf3[0, ii, pl.ds(jj * 16, 16)] = zero16
            return carry

        lax.fori_loop(0, chunk, zbody, 0)
        pltpu.sync_copy(ridx3.at[wid], iall)
        for kk in range(rpt // chunk):
            pltpu.sync_copy(ebuf3.at[0],
                            shared.at[pl.ds(sid * rpt + kk * chunk, chunk)])
        plsc.subcore_barrier()

        def l_desc(g, p):
            off = base + g * chunk
            return pltpu.make_async_copy(ev.at[pl.ds(off, chunk)],
                                         ebuf3.at[p], sl.at[p])

        def sc_desc(g, p):
            return pltpu.make_async_copy(ebuf3.at[p], shared.at[iall.at[g]],
                                         sc.at[p])

        l_desc(0, 0).start()

        def body(g, carry):
            p = lax.rem(g, 2)
            pn = 1 - p

            @pl.when(g >= 1)
            def _():
                sc_desc(g - 1, pn).wait()

            @pl.when(g + 1 < nch)
            def _():
                l_desc(g + 1, pn).start()

            l_desc(g, p).wait()
            pltpu.async_copy(ebuf3.at[p], shared.at[iall.at[g]], sc.at[p],
                             add=True)
            return carry

        lax.fori_loop(0, nch, body, 0)
        sc_desc(nch - 1, (nch - 1) % 2).wait()
        plsc.subcore_barrier()
        pltpu.sync_copy(shared.at[pl.ds(sid * rpt, rpt)],
                        out.at[cid, pl.ds(sid * rpt, rpt)])

    return k3


def _k4_body(nn_ref, p0_ref, p1_ref, w4a_ref, b4a_ref, w4b_ref, b4b_ref,
             out_ref):
    num = p0_ref[:, :WV] + p1_ref[:, :WV]
    den = p0_ref[:, WV:WV + 1] + p1_ref[:, WV:WV + 1]
    aggr = num / (den + 1e-12)
    bn = num.shape[0]
    row = pl.program_id(0) * bn + lax.broadcasted_iota(i32, (bn, 1), 0)
    aggr = jnp.where(row < nn_ref[0, 0], aggr, 0.0)
    t = jnp.maximum(jnp.dot(aggr, w4a_ref[...], preferred_element_type=f32)
                    + b4a_ref[...], 0.0)
    out_ref[...] = jnp.dot(t, w4b_ref[...], preferred_element_type=f32) \
        + b4b_ref[...]


def kernel(nodes, edges, senders, receivers, n_node,
           W1a, b1a, W1b, b1b, W2a, b2a, W2b, b2b,
           W3a, b3a, W3b, b3b, W4a, b4a, W4b, b4b):
    n, nd = nodes.shape
    e, ed = edges.shape

    pa, pb = pl.pallas_call(
        _k0_body,
        out_shape=(jax.ShapeDtypeStruct((n, nd), f32),
                   jax.ShapeDtypeStruct((n, nd), f32)),
    )(nodes, W1a[:nd], W1a[nd:2 * nd])

    chunk = 80
    s3 = senders.reshape(NW, -1, chunk)
    r3 = receivers.reshape(NW, -1, chunk)
    gs, gr = _make_gather(n, nd, e, chunk)(pa, pb, s3, r3)

    be = 2000
    grid = (e // be,)
    full = lambda a: pl.BlockSpec(a.shape, lambda i: (0, 0))
    w2bt = W2b.reshape(1, -1)
    ev = pl.pallas_call(
        _k2_body,
        grid=grid,
        in_specs=[
            pl.BlockSpec((be, nd), lambda i: (i, 0)),
            pl.BlockSpec((be, nd), lambda i: (i, 0)),
            pl.BlockSpec((be, ed), lambda i: (i, 0)),
            full(W1a[2 * nd:]),
            pl.BlockSpec((1, nd), lambda i: (0, 0)),
            full(W1b),
            pl.BlockSpec((1, 64), lambda i: (0, 0)),
            full(W2a),
            pl.BlockSpec((1, 64), lambda i: (0, 0)),
            full(w2bt),
            pl.BlockSpec((1, 1), lambda i: (0, 0)),
            full(W3a),
            pl.BlockSpec((1, 128), lambda i: (0, 0)),
            full(W3b),
            pl.BlockSpec((1, 64), lambda i: (0, 0)),
        ],
        out_specs=pl.BlockSpec((be, WROW), lambda i: (i, 0)),
        out_shape=jax.ShapeDtypeStruct((e, WROW), f32),
    )(gs, gr, edges, W1a[2 * nd:], b1a.reshape(1, -1), W1b,
      b1b.reshape(1, -1), W2a, b2a.reshape(1, -1), w2bt,
      b2b.reshape(1, 1), W3a, b3a.reshape(1, -1), W3b, b3b.reshape(1, -1))

    n_tab = (n + NS * chunk - 1) // (NS * chunk) * (NS * chunk)
    parts = _make_scatter(n_tab, e, chunk)(ev, r3)

    bn = 400
    nn = jnp.asarray(n_node, dtype=i32).reshape(1, 1)
    out = pl.pallas_call(
        _k4_body,
        grid=(n // bn,),
        in_specs=[
            pl.BlockSpec(memory_space=pltpu.SMEM),
            pl.BlockSpec((bn, WROW), lambda i: (i, 0)),
            pl.BlockSpec((bn, WROW), lambda i: (i, 0)),
            full(W4a),
            pl.BlockSpec((1, 128), lambda i: (0, 0)),
            full(W4b),
            pl.BlockSpec((1, 128), lambda i: (0, 0)),
        ],
        out_specs=pl.BlockSpec((bn, 128), lambda i: (i, 0)),
        out_shape=jax.ShapeDtypeStruct((n, 128), f32),
    )(nn, parts[0], parts[1], W4a, b4a.reshape(1, -1), W4b,
      b4b.reshape(1, -1))
    return out

# --- scband reference (transcript-rebuilt; emitter-appended) ---
"""Pipeline reference for scband-gnnlayer-81492709474503 (READ-ONLY COPY).

The authoritative reference and input builder live on the scoring server;
editing this copy changes nothing except your own understanding.
"""

import jax, jax.numpy as jnp
import numpy as np

N = 10000
E = 320000
ND = 128
ED = 16


def _lin_init(k, i, o):
    return (jax.random.normal(k, (i, o), dtype=jnp.float32) / np.sqrt(i)).astype(jnp.float32)


def setup_inputs(seed: int = 0) -> dict:
    key = jax.random.key(seed)
    ks = jax.random.split(key, 16)
    inp = {}
    inp["nodes"] = jax.random.normal(ks[0], (N, ND), dtype=jnp.float32)
    inp["edges"] = jax.random.normal(ks[1], (E, ED), dtype=jnp.float32)
    inp["senders"] = jax.random.randint(ks[2], (E,), 0, N, dtype=jnp.int32)
    inp["receivers"] = jax.random.randint(ks[3], (E,), 0, N, dtype=jnp.int32)
    inp["n_node"] = N
    # msg_net psi1: 272 -> 128 -> 64 (act_final=True)
    inp["W1a"] = _lin_init(ks[4], 2 * ND + ED, 128); inp["b1a"] = jnp.zeros((128,), jnp.float32)
    inp["W1b"] = _lin_init(ks[5], 128, 64); inp["b1b"] = jnp.zeros((64,), jnp.float32)
    # attn_net psi2: 64 -> 64 -> 1 (act_final=False)
    inp["W2a"] = _lin_init(ks[6], 64, 64); inp["b2a"] = jnp.zeros((64,), jnp.float32)
    inp["W2b"] = _lin_init(ks[7], 64, 1); inp["b2b"] = jnp.zeros((1,), jnp.float32)
    # value_net psi3: 64 -> 128 -> 64 (act_final=True)
    inp["W3a"] = _lin_init(ks[8], 64, 128); inp["b3a"] = jnp.zeros((128,), jnp.float32)
    inp["W3b"] = _lin_init(ks[9], 128, 64); inp["b3b"] = jnp.zeros((64,), jnp.float32)
    # update_net psi4: 64 -> 128 -> 128 (act_final=False)
    inp["W4a"] = _lin_init(ks[10], 64, 128); inp["b4a"] = jnp.zeros((128,), jnp.float32)
    inp["W4b"] = _lin_init(ks[11], 128, 128); inp["b4b"] = jnp.zeros((128,), jnp.float32)
    return inp


def reference(nodes, edges, senders, receivers, n_node,
              W1a, b1a, W1b, b1b,
              W2a, b2a, W2b, b2b,
              W3a, b3a, W3b, b3b,
              W4a, b4a, W4b, b4b):
    relu = jax.nn.relu
    n_static = nodes.shape[0]
    v_s = jnp.take(nodes, senders, axis=0)
    v_r = jnp.take(nodes, receivers, axis=0)
    z = jnp.concatenate([v_s, v_r, edges], axis=-1)
    # psi1 encoder (act_final=True)
    q = relu(relu(z @ W1a + b1a) @ W1b + b1b)
    # psi2 attention (act_final=False)
    w = (relu(q @ W2a + b2a) @ W2b + b2b).squeeze(-1)
    # segment softmax over receivers
    max_vals = jnp.full((n_static,), -1000000000.0, dtype=w.dtype).at[receivers].max(w)
    wl = w - max_vals[receivers]
    exp_l = jnp.exp(wl)
    sum_exp = jnp.zeros((n_static,), dtype=w.dtype).at[receivers].add(exp_l)
    attn = exp_l / (sum_exp[receivers] + 1e-12)
    # psi3 value (act_final=True)
    v = relu(relu(q @ W3a + b3a) @ W3b + b3b)
    weighted = attn[:, None] * v
    aggr = jnp.zeros((n_static, v.shape[-1]), dtype=v.dtype).at[receivers].add(weighted)
    valid = jnp.arange(n_static) < n_node
    aggr = jnp.where(valid[:, None], aggr, jnp.zeros((), dtype=aggr.dtype))
    # psi4 decoder (act_final=False)
    out = relu(aggr @ W4a + b4a) @ W4b + b4b
    return out

if __name__ == "__main__":
    import jax
    _d = setup_inputs()
    print(jax.jit(kernel)(*tuple(_d.values())))

</pallas_src>

<mosaic_0001>
#map = affine_map<(d0, d1) -> (0, 0)>
#map1 = affine_map<(d0, d1) -> (0, 0, 0)>
module attributes {stable_mosaic.version = 14 : i64} {
  func.func @k3(%arg0: i32, %arg1: i32, %arg2: memref<320000x128xf32, #tpu.memory_space<hbm>>, %arg3: memref<32x125x80xi32, #tpu.memory_space<hbm>>, %arg4: memref<2x10240x128xf32, #tpu.memory_space<hbm>>, %arg5: memref<125x80xi32, #tpu.memory_space<vmem>>, %arg6: memref<2x80x128xf32, #tpu.memory_space<vmem>>, %arg7: memref<10240x128xf32, #tpu.memory_space<vmem_shared>>, %arg8: memref<2x!tpu.dma_semaphore, #tpu.memory_space<semaphore_mem>>, %arg9: memref<2x!tpu.dma_semaphore, #tpu.memory_space<semaphore_mem>>) attributes {dimension_semantics = [#tpu.dimension_semantics<core_parallel>, #tpu.dimension_semantics<subcore_parallel>], iteration_bounds = array<i64: 2, 16>, scalar_prefetch = 0 : i64, scratch_operands = 5 : i64, tpu.core_type = #tpu.core_type<sc_vector_subcore>, window_params = [{transform_indices = #map}, {transform_indices = #map1}, {transform_indices = #map1}]} {
    %mul3A = arith.constant 2 : i32
    %mul3A_0 = arith.muli %arg1, %mul3A : i32
    %add3A = arith.addi %mul3A_0, %arg0 : i32
    %mul3A_1 = arith.constant 10000 : i32
    %mul3A_2 = arith.muli %add3A, %mul3A_1 : i32
    %broadcast_in_dim3A = arith.constant 0.000000e+00 : f32
    %broadcast_in_dim3A_3 = vector.broadcast %broadcast_in_dim3A : f32 to vector<16xf32>
    %scan3A = arith.constant 0 : i32
    %scan3A_4 = arith.constant 0 : i32
    %scan3A_5 = arith.constant 80 : i32
    %scan3A_6 = arith.addi %scan3A_4, %scan3A_5 : i32
    %scan3A_7 = arith.constant 1 : i32
    scf.for %scan3A_90 = %scan3A_4 to %scan3A_6 step %scan3A_7  : i32 {
      %swap3A = arith.constant 0 : i32
      %swap3A_91 = arith.index_cast %swap3A : i32 to index
      %swap3A_92 = arith.index_cast %scan3A_90 : i32 to index
      %swap3A_93 = arith.constant 0 : index
      %swap3A_94 = tpu.vector_load %arg6[%swap3A_91, %swap3A_92, %swap3A_93] {strides = array<i32>} : memref<2x80x128xf32, #tpu.memory_space<vmem>>, vector<1x1x16xf32>,
      %swap3A_95 = vector.shape_cast %swap3A_94 : vector<1x1x16xf32> to vector<16xf32>
      %swap3A_96 = vector.shape_cast %broadcast_in_dim3A_3 : vector<16xf32> to vector<1x1x16xf32>
      tpu.vector_store %arg6[%swap3A_91, %swap3A_92, %swap3A_93], %swap3A_96 {strides = array<i32>} : memref<2x80x128xf32, #tpu.memory_space<vmem>>, vector<1x1x16xf32>,
      %swap3A_97 = arith.constant 0 : i32
      %swap3A_98 = arith.index_cast %swap3A_97 : i32 to index
      %swap3A_99 = arith.index_cast %scan3A_90 : i32 to index
      %swap3A_100 = arith.constant 16 : index
      %swap3A_101 = tpu.vector_load %arg6[%swap3A_98, %swap3A_99, %swap3A_100] {strides = array<i32>} : memref<2x80x128xf32, #tpu.memory_space<vmem>>, vector<1x1x16xf32>,
      %swap3A_102 = vector.shape_cast %swap3A_101 : vector<1x1x16xf32> to vector<16xf32>
      %swap3A_103 = vector.shape_cast %broadcast_in_dim3A_3 : vector<16xf32> to vector<1x1x16xf32>
      tpu.vector_store %arg6[%swap3A_98, %swap3A_99, %swap3A_100], %swap3A_103 {strides = array<i32>} : memref<2x80x128xf32, #tpu.memory_space<vmem>>, vector<1x1x16xf32>,
      %swap3A_104 = arith.constant 0 : i32
      %swap3A_105 = arith.index_cast %swap3A_104 : i32 to index
      %swap3A_106 = arith.index_cast %scan3A_90 : i32 to index
      %swap3A_107 = arith.constant 32 : index
      %swap3A_108 = tpu.vector_load %arg6[%swap3A_105, %swap3A_106, %swap3A_107] {strides = array<i32>} : memref<2x80x128xf32, #tpu.memory_space<vmem>>, vector<1x1x16xf32>,
      %swap3A_109 = vector.shape_cast %swap3A_108 : vector<1x1x16xf32> to vector<16xf32>
      %swap3A_110 = vector.shape_cast %broadcast_in_dim3A_3 : vector<16xf32> to vector<1x1x16xf32>
      tpu.vector_store %arg6[%swap3A_105, %swap3A_106, %swap3A_107], %swap3A_110 {strides = array<i32>} : memref<2x80x128xf32, #tpu.memory_space<vmem>>, vector<1x1x16xf32>,
      %swap3A_111 = arith.constant 0 : i32
      %swap3A_112 = arith.index_cast %swap3A_111 : i32 to index
      %swap3A_113 = arith.index_cast %scan3A_90 : i32 to index
      %swap3A_114 = arith.constant 48 : index
      %swap3A_115 = tpu.vector_load %arg6[%swap3A_112, %swap3A_113, %swap3A_114] {strides = array<i32>} : memref<2x80x128xf32, #tpu.memory_space<vmem>>, vector<1x1x16xf32>,
      %swap3A_116 = vector.shape_cast %swap3A_115 : vector<1x1x16xf32> to vector<16xf32>
      %swap3A_117 = vector.shape_cast %broadcast_in_dim3A_3 : vector<16xf32> to vector<1x1x16xf32>
      tpu.vector_store %arg6[%swap3A_112, %swap3A_113, %swap3A_114], %swap3A_117 {strides = array<i32>} : memref<2x80x128xf32, #tpu.memory_space<vmem>>, vector<1x1x16xf32>,
      %swap3A_118 = arith.constant 0 : i32
      %swap3A_119 = arith.index_cast %swap3A_118 : i32 to index
      %swap3A_120 = arith.index_cast %scan3A_90 : i32 to index
      %swap3A_121 = arith.constant 64 : index
      %swap3A_122 = tpu.vector_load %arg6[%swap3A_119, %swap3A_120, %swap3A_121] {strides = array<i32>} : memref<2x80x128xf32, #tpu.memory_space<vmem>>, vector<1x1x16xf32>,
      %swap3A_123 = vector.shape_cast %swap3A_122 : vector<1x1x16xf32> to vector<16xf32>
      %swap3A_124 = vector.shape_cast %broadcast_in_dim3A_3 : vector<16xf32> to vector<1x1x16xf32>
      tpu.vector_store %arg6[%swap3A_119, %swap3A_120, %swap3A_121], %swap3A_124 {strides = array<i32>} : memref<2x80x128xf32, #tpu.memory_space<vmem>>, vector<1x1x16xf32>,
      %swap3A_125 = arith.constant 0 : i32
      %swap3A_126 = arith.index_cast %swap3A_125 : i32 to index
      %swap3A_127 = arith.index_cast %scan3A_90 : i32 to index
      %swap3A_128 = arith.constant 80 : index
      %swap3A_129 = tpu.vector_load %arg6[%swap3A_126, %swap3A_127, %swap3A_128] {strides = array<i32>} : memref<2x80x128xf32, #tpu.memory_space<vmem>>, vector<1x1x16xf32>,
      %swap3A_130 = vector.shape_cast %swap3A_129 : vector<1x1x16xf32> to vector<16xf32>
      %swap3A_131 = vector.shape_cast %broadcast_in_dim3A_3 : vector<16xf32> to vector<1x1x16xf32>
      tpu.vector_store %arg6[%swap3A_126, %swap3A_127, %swap3A_128], %swap3A_131 {strides = array<i32>} : memref<2x80x128xf32, #tpu.memory_space<vmem>>, vector<1x1x16xf32>,
      %swap3A_132 = arith.constant 0 : i32
      %swap3A_133 = arith.index_cast %swap3A_132 : i32 to index
      %swap3A_134 = arith.index_cast %scan3A_90 : i32 to index
      %swap3A_135 = arith.constant 96 : index
      %swap3A_136 = tpu.vector_load %arg6[%swap3A_133, %swap3A_134, %swap3A_135] {strides = array<i32>} : memref<2x80x128xf32, #tpu.memory_space<vmem>>, vector<1x1x16xf32>,
      %swap3A_137 = vector.shape_cast %swap3A_136 : vector<1x1x16xf32> to vector<16xf32>
      %swap3A_138 = vector.shape_cast %broadcast_in_dim3A_3 : vector<16xf32> to vector<1x1x16xf32>
      tpu.vector_store %arg6[%swap3A_133, %swap3A_134, %swap3A_135], %swap3A_138 {strides = array<i32>} : memref<2x80x128xf32, #tpu.memory_space<vmem>>, vector<1x1x16xf32>,
      %swap3A_139 = arith.constant 0 : i32
      %swap3A_140 = arith.index_cast %swap3A_139 : i32 to index
      %swap3A_141 = arith.index_cast %scan3A_90 : i32 to index
      %swap3A_142 = arith.constant 112 : index
      %swap3A_143 = tpu.vector_load %arg6[%swap3A_140, %swap3A_141, %swap3A_142] {strides = array<i32>} : memref<2x80x128xf32, #tpu.memory_space<vmem>>, vector<1x1x16xf32>,
      %swap3A_144 = vector.shape_cast %swap3A_143 : vector<1x1x16xf32> to vector<16xf32>
      %swap3A_145 = vector.shape_cast %broadcast_in_dim3A_3 : vector<16xf32> to vector<1x1x16xf32>
      tpu.vector_store %arg6[%swap3A_140, %swap3A_141, %swap3A_142], %swap3A_145 {strides = array<i32>} : memref<2x80x128xf32, #tpu.memory_space<vmem>>, vector<1x1x16xf32>,
    }
    %scan3A_8 = arith.constant 80 : i32
    "tpu.region"() ({
      %run_scoped3A_90 = tpu.sem_alloc : memref<!tpu.dma_semaphore, #tpu.memory_space<semaphore_mem>>
      %dma_start3A_91 = arith.constant 0 : i32
      %dma_start3A_92 = arith.constant 0 : i32
      %dma_start3A_93 = tpu.memref_slice %arg3[%add3A, %dma_start3A_91, %dma_start3A_92] : memref<32x125x80xi32, #tpu.memory_space<hbm>> -> memref<1x125x80xi32, #tpu.memory_space<hbm>>
      %dma_start3A_94 = tpu.memref_squeeze %dma_start3A_93 : memref<1x125x80xi32, #tpu.memory_space<hbm>> -> memref<125x80xi32, #tpu.memory_space<hbm>>
      %dma_start3A_95 = arith.constant 0 : i32
      %dma_start3A_96 = arith.constant 0 : i32
      %dma_start3A_97 = tpu.memref_slice %arg3[%add3A, %dma_start3A_95, %dma_start3A_96] : memref<32x125x80xi32, #tpu.memory_space<hbm>> -> memref<1x125x80xi32, #tpu.memory_space<hbm>>
      %dma_start3A_98 = tpu.memref_squeeze %dma_start3A_97 : memref<1x125x80xi32, #tpu.memory_space<hbm>> -> memref<125x80xi32, #tpu.memory_space<hbm>>
      tpu.enqueue_dma source(%dma_start3A_98 : memref<125x80xi32, #tpu.memory_space<hbm>>) target(%arg5 : memref<125x80xi32, #tpu.memory_space<vmem>>) target_semaphore(%run_scoped3A_90 : memref<!tpu.dma_semaphore, #tpu.memory_space<semaphore_mem>>)
      %dma_wait3A_99 = arith.constant 0 : i32
      %dma_wait3A_100 = arith.constant 0 : i32
      %dma_wait3A_101 = tpu.memref_slice %arg3[%add3A, %dma_wait3A_99, %dma_wait3A_100] : memref<32x125x80xi32, #tpu.memory_space<hbm>> -> memref<1x125x80xi32, #tpu.memory_space<hbm>>
      %dma_wait3A_102 = tpu.memref_squeeze %dma_wait3A_101 : memref<1x125x80xi32, #tpu.memory_space<hbm>> -> memref<125x80xi32, #tpu.memory_space<hbm>>
      %dma_wait3A_103 = arith.constant 0 : i32
      %dma_wait3A_104 = arith.constant 0 : i32
      %dma_wait3A_105 = tpu.memref_slice %arg3[%add3A, %dma_wait3A_103, %dma_wait3A_104] : memref<32x125x80xi32, #tpu.memory_space<hbm>> -> memref<1x125x80xi32, #tpu.memory_space<hbm>>
      %dma_wait3A_106 = tpu.memref_squeeze %dma_wait3A_105 : memref<1x125x80xi32, #tpu.memory_space<hbm>> -> memref<125x80xi32, #tpu.memory_space<hbm>>
      tpu.wait_dma2 semaphore(%run_scoped3A_90 : memref<!tpu.dma_semaphore, #tpu.memory_space<semaphore_mem>>) src(%dma_wait3A_106 : memref<125x80xi32, #tpu.memory_space<hbm>>) dst(%arg5 : memref<125x80xi32, #tpu.memory_space<vmem>>)
      tpu.yield
    }) : () -> ()
    %mul3A_9 = arith.constant 640 : i32
    %mul3A_10 = arith.muli %arg1, %mul3A_9 : i32
    %add3A_11 = arith.constant 0 : i32
    %add3A_12 = arith.addi %mul3A_10, %add3A_11 : i32
    %run_scoped3A = arith.constant 0 : i32
    "tpu.region"() ({
      %run_scoped3A_90 = tpu.sem_alloc : memref<!tpu.dma_semaphore, #tpu.memory_space<semaphore_mem>>
      %dma_start3A_91 = arith.constant 0 : i32
      %dma_start3A_92 = arith.constant 0 : i32
      %dma_start3A_93 = tpu.memref_slice %arg6[%run_scoped3A, %dma_start3A_91, %dma_start3A_92] : memref<2x80x128xf32, #tpu.memory_space<vmem>> -> memref<1x80x128xf32, #tpu.memory_space<vmem>>
      %dma_start3A_94 = tpu.memref_squeeze %dma_start3A_93 : memref<1x80x128xf32, #tpu.memory_space<vmem>> -> memref<80x128xf32, #tpu.memory_space<vmem>>
      %dma_start3A_95 = arith.constant 0 : i32
      %dma_start3A_96 = tpu.memref_slice %arg7[%add3A_12, %dma_start3A_95] : memref<10240x128xf32, #tpu.memory_space<vmem_shared>> -> memref<80x128xf32, #tpu.memory_space<vmem_shared>>
      %dma_start3A_97 = arith.constant 0 : i32
      %dma_start3A_98 = tpu.memref_slice %arg7[%add3A_12, %dma_start3A_97] : memref<10240x128xf32, #tpu.memory_space<vmem_shared>> -> memref<80x128xf32, #tpu.memory_space<vmem_shared>>
      %dma_start3A_99 = arith.constant 0 : i32
      %dma_start3A_100 = arith.constant 0 : i32
      %dma_start3A_101 = tpu.memref_slice %arg6[%run_scoped3A, %dma_start3A_99, %dma_start3A_100] : memref<2x80x128xf32, #tpu.memory_space<vmem>> -> memref<1x80x128xf32, #tpu.memory_space<vmem>>
      %dma_start3A_102 = tpu.memref_squeeze %dma_start3A_101 : memref<1x80x128xf32, #tpu.memory_space<vmem>> -> memref<80x128xf32, #tpu.memory_space<vmem>>
      tpu.enqueue_dma source(%dma_start3A_102 : memref<80x128xf32, #tpu.memory_space<vmem>>) target(%dma_start3A_98 : memref<80x128xf32, #tpu.memory_space<vmem_shared>>) target_semaphore(%run_scoped3A_90 : memref<!tpu.dma_semaphore, #tpu.memory_space<semaphore_mem>>)
      %dma_wait3A_103 = arith.constant 0 : i32
      %dma_wait3A_104 = arith.constant 0 : i32
      %dma_wait3A_105 = tpu.memref_slice %arg6[%run_scoped3A, %dma_wait3A_103, %dma_wait3A_104] : memref<2x80x128xf32, #tpu.memory_space<vmem>> -> memref<1x80x128xf32, #tpu.memory_space<vmem>>
      %dma_wait3A_106 = tpu.memref_squeeze %dma_wait3A_105 : memref<1x80x128xf32, #tpu.memory_space<vmem>> -> memref<80x128xf32, #tpu.memory_space<vmem>>
      %dma_wait3A_107 = arith.constant 0 : i32
      %dma_wait3A_108 = tpu.memref_slice %arg7[%add3A_12, %dma_wait3A_107] : memref<10240x128xf32, #tpu.memory_space<vmem_shared>> -> memref<80x128xf32, #tpu.memory_space<vmem_shared>>
      %dma_wait3A_109 = arith.constant 0 : i32
      %dma_wait3A_110 = tpu.memref_slice %arg7[%add3A_12, %dma_wait3A_109] : memref<10240x128xf32, #tpu.memory_space<vmem_shared>> -> memref<80x128xf32, #tpu.memory_space<vmem_shared>>
      %dma_wait3A_111 = arith.constant 0 : i32
      %dma_wait3A_112 = arith.constant 0 : i32
      %dma_wait3A_113 = tpu.memref_slice %arg6[%run_scoped3A, %dma_wait3A_111, %dma_wait3A_112] : memref<2x80x128xf32, #tpu.memory_space<vmem>> -> memref<1x80x128xf32, #tpu.memory_space<vmem>>
      %dma_wait3A_114 = tpu.memref_squeeze %dma_wait3A_113 : memref<1x80x128xf32, #tpu.memory_space<vmem>> -> memref<80x128xf32, #tpu.memory_space<vmem>>
      tpu.wait_dma2 semaphore(%run_scoped3A_90 : memref<!tpu.dma_semaphore, #tpu.memory_space<semaphore_mem>>) src(%dma_wait3A_114 : memref<80x128xf32, #tpu.memory_space<vmem>>) dst(%dma_wait3A_110 : memref<80x128xf32, #tpu.memory_space<vmem_shared>>)
      tpu.yield
    }) : () -> ()
    %mul3A_13 = arith.constant 640 : i32
    %mul3A_14 = arith.muli %arg1, %mul3A_13 : i32
    %add3A_15 = arith.constant 80 : i32
    %add3A_16 = arith.addi %mul3A_14, %add3A_15 : i32
    %run_scoped3A_17 = arith.constant 0 : i32
    "tpu.region"() ({
      %run_scoped3A_90 = tpu.sem_alloc : memref<!tpu.dma_semaphore, #tpu.memory_space<semaphore_mem>>
      %dma_start3A_91 = arith.constant 0 : i32
      %dma_start3A_92 = arith.constant 0 : i32
      %dma_start3A_93 = tpu.memref_slice %arg6[%run_scoped3A_17, %dma_start3A_91, %dma_start3A_92] : memref<2x80x128xf32, #tpu.memory_space<vmem>> -> memref<1x80x128xf32, #tpu.memory_space<vmem>>
      %dma_start3A_94 = tpu.memref_squeeze %dma_start3A_93 : memref<1x80x128xf32, #tpu.memory_space<vmem>> -> memref<80x128xf32, #tpu.memory_space<vmem>>
      %dma_start3A_95 = arith.constant 0 : i32
      %dma_start3A_96 = tpu.memref_slice %arg7[%add3A_16, %dma_start3A_95] : memref<10240x128xf32, #tpu.memory_space<vmem_shared>> -> memref<80x128xf32, #tpu.memory_space<vmem_shared>>
      %dma_start3A_97 = arith.constant 0 : i32
      %dma_start3A_98 = tpu.memref_slice %arg7[%add3A_16, %dma_start3A_97] : memref<10240x128xf32, #tpu.memory_space<vmem_shared>> -> memref<80x128xf32, #tpu.memory_space<vmem_shared>>
      %dma_start3A_99 = arith.constant 0 : i32
      %dma_start3A_100 = arith.constant 0 : i32
      %dma_start3A_101 = tpu.memref_slice %arg6[%run_scoped3A_17, %dma_start3A_99, %dma_start3A_100] : memref<2x80x128xf32, #tpu.memory_space<vmem>> -> memref<1x80x128xf32, #tpu.memory_space<vmem>>
      %dma_start3A_102 = tpu.memref_squeeze %dma_start3A_101 : memref<1x80x128xf32, #tpu.memory_space<vmem>> -> memref<80x128xf32, #tpu.memory_space<vmem>>
      tpu.enqueue_dma source(%dma_start3A_102 : memref<80x128xf32, #tpu.memory_space<vmem>>) target(%dma_start3A_98 : memref<80x128xf32, #tpu.memory_space<vmem_shared>>) target_semaphore(%run_scoped3A_90 : memref<!tpu.dma_semaphore, #tpu.memory_space<semaphore_mem>>)
      %dma_wait3A_103 = arith.constant 0 : i32
      %dma_wait3A_104 = arith.constant 0 : i32
      %dma_wait3A_105 = tpu.memref_slice %arg6[%run_scoped3A_17, %dma_wait3A_103, %dma_wait3A_104] : memref<2x80x128xf32, #tpu.memory_space<vmem>> -> memref<1x80x128xf32, #tpu.memory_space<vmem>>
      %dma_wait3A_106 = tpu.memref_squeeze %dma_wait3A_105 : memref<1x80x128xf32, #tpu.memory_space<vmem>> -> memref<80x128xf32, #tpu.memory_space<vmem>>
      %dma_wait3A_107 = arith.constant 0 : i32
      %dma_wait3A_108 = tpu.memref_slice %arg7[%add3A_16, %dma_wait3A_107] : memref<10240x128xf32, #tpu.memory_space<vmem_shared>> -> memref<80x128xf32, #tpu.memory_space<vmem_shared>>
      %dma_wait3A_109 = arith.constant 0 : i32
      %dma_wait3A_110 = tpu.memref_slice %arg7[%add3A_16, %dma_wait3A_109] : memref<10240x128xf32, #tpu.memory_space<vmem_shared>> -> memref<80x128xf32, #tpu.memory_space<vmem_shared>>
      %dma_wait3A_111 = arith.constant 0 : i32
      %dma_wait3A_112 = arith.constant 0 : i32
      %dma_wait3A_113 = tpu.memref_slice %arg6[%run_scoped3A_17, %dma_wait3A_111, %dma_wait3A_112] : memref<2x80x128xf32, #tpu.memory_space<vmem>> -> memref<1x80x128xf32, #tpu.memory_space<vmem>>
      %dma_wait3A_114 = tpu.memref_squeeze %dma_wait3A_113 : memref<1x80x128xf32, #tpu.memory_space<vmem>> -> memref<80x128xf32, #tpu.memory_space<vmem>>
      tpu.wait_dma2 semaphore(%run_scoped3A_90 : memref<!tpu.dma_semaphore, #tpu.memory_space<semaphore_mem>>) src(%dma_wait3A_114 : memref<80x128xf32, #tpu.memory_space<vmem>>) dst(%dma_wait3A_110 : memref<80x128xf32, #tpu.memory_space<vmem_shared>>)
      tpu.yield
    }) : () -> ()
    %mul3A_18 = arith.constant 640 : i32
    %mul3A_19 = arith.muli %arg1, %mul3A_18 : i32
    %add3A_20 = arith.constant 160 : i32
    %add3A_21 = arith.addi %mul3A_19, %add3A_20 : i32
    %run_scoped3A_22 = arith.constant 0 : i32
    "tpu.region"() ({
      %run_scoped3A_90 = tpu.sem_alloc : memref<!tpu.dma_semaphore, #tpu.memory_space<semaphore_mem>>
      %dma_start3A_91 = arith.constant 0 : i32
      %dma_start3A_92 = arith.constant 0 : i32
      %dma_start3A_93 = tpu.memref_slice %arg6[%run_scoped3A_22, %dma_start3A_91, %dma_start3A_92] : memref<2x80x128xf32, #tpu.memory_space<vmem>> -> memref<1x80x128xf32, #tpu.memory_space<vmem>>
      %dma_start3A_94 = tpu.memref_squeeze %dma_start3A_93 : memref<1x80x128xf32, #tpu.memory_space<vmem>> -> memref<80x128xf32, #tpu.memory_space<vmem>>
      %dma_start3A_95 = arith.constant 0 : i32
      %dma_start3A_96 = tpu.memref_slice %arg7[%add3A_21, %dma_start3A_95] : memref<10240x128xf32, #tpu.memory_space<vmem_shared>> -> memref<80x128xf32, #tpu.memory_space<vmem_shared>>
      %dma_start3A_97 = arith.constant 0 : i32
      %dma_start3A_98 = tpu.memref_slice %arg7[%add3A_21, %dma_start3A_97] : memref<10240x128xf32, #tpu.memory_space<vmem_shared>> -> memref<80x128xf32, #tpu.memory_space<vmem_shared>>
      %dma_start3A_99 = arith.constant 0 : i32
      %dma_start3A_100 = arith.constant 0 : i32
      %dma_start3A_101 = tpu.memref_slice %arg6[%run_scoped3A_22, %dma_start3A_99, %dma_start3A_100] : memref<2x80x128xf32, #tpu.memory_space<vmem>> -> memref<1x80x128xf32, #tpu.memory_space<vmem>>
      %dma_start3A_102 = tpu.memref_squeeze %dma_start3A_101 : memref<1x80x128xf32, #tpu.memory_space<vmem>> -> memref<80x128xf32, #tpu.memory_space<vmem>>
      tpu.enqueue_dma source(%dma_start3A_102 : memref<80x128xf32, #tpu.memory_space<vmem>>) target(%dma_start3A_98 : memref<80x128xf32, #tpu.memory_space<vmem_shared>>) target_semaphore(%run_scoped3A_90 : memref<!tpu.dma_semaphore, #tpu.memory_space<semaphore_mem>>)
      %dma_wait3A_103 = arith.constant 0 : i32
      %dma_wait3A_104 = arith.constant 0 : i32
      %dma_wait3A_105 = tpu.memref_slice %arg6[%run_scoped3A_22, %dma_wait3A_103, %dma_wait3A_104] : memref<2x80x128xf32, #tpu.memory_space<vmem>> -> memref<1x80x128xf32, #tpu.memory_space<vmem>>
      %dma_wait3A_106 = tpu.memref_squeeze %dma_wait3A_105 : memref<1x80x128xf32, #tpu.memory_space<vmem>> -> memref<80x128xf32, #tpu.memory_space<vmem>>
      %dma_wait3A_107 = arith.constant 0 : i32
      %dma_wait3A_108 = tpu.memref_slice %arg7[%add3A_21, %dma_wait3A_107] : memref<10240x128xf32, #tpu.memory_space<vmem_shared>> -> memref<80x128xf32, #tpu.memory_space<vmem_shared>>
      %dma_wait3A_109 = arith.constant 0 : i32
      %dma_wait3A_110 = tpu.memref_slice %arg7[%add3A_21, %dma_wait3A_109] : memref<10240x128xf32, #tpu.memory_space<vmem_shared>> -> memref<80x128xf32, #tpu.memory_space<vmem_shared>>
      %dma_wait3A_111 = arith.constant 0 : i32
      %dma_wait3A_112 = arith.constant 0 : i32
      %dma_wait3A_113 = tpu.memref_slice %arg6[%run_scoped3A_22, %dma_wait3A_111, %dma_wait3A_112] : memref<2x80x128xf32, #tpu.memory_space<vmem>> -> memref<1x80x128xf32, #tpu.memory_space<vmem>>
      %dma_wait3A_114 = tpu.memref_squeeze %dma_wait3A_113 : memref<1x80x128xf32, #tpu.memory_space<vmem>> -> memref<80x128xf32, #tpu.memory_space<vmem>>
      tpu.wait_dma2 semaphore(%run_scoped3A_90 : memref<!tpu.dma_semaphore, #tpu.memory_space<semaphore_mem>>) src(%dma_wait3A_114 : memref<80x128xf32, #tpu.memory_space<vmem>>) dst(%dma_wait3A_110 : memref<80x128xf32, #tpu.memory_space<vmem_shared>>)
      tpu.yield
    }) : () -> ()
    %mul3A_23 = arith.constant 640 : i32
    %mul3A_24 = arith.muli %arg1, %mul3A_23 : i32
    %add3A_25 = arith.constant 240 : i32
    %add3A_26 = arith.addi %mul3A_24, %add3A_25 : i32
    %run_scoped3A_27 = arith.constant 0 : i32
    "tpu.region"() ({
      %run_scoped3A_90 = tpu.sem_alloc : memref<!tpu.dma_semaphore, #tpu.memory_space<semaphore_mem>>
      %dma_start3A_91 = arith.constant 0 : i32
      %dma_start3A_92 = arith.constant 0 : i32
      %dma_start3A_93 = tpu.memref_slice %arg6[%run_scoped3A_27, %dma_start3A_91, %dma_start3A_92] : memref<2x80x128xf32, #tpu.memory_space<vmem>> -> memref<1x80x128xf32, #tpu.memory_space<vmem>>
      %dma_start3A_94 = tpu.memref_squeeze %dma_start3A_93 : memref<1x80x128xf32, #tpu.memory_space<vmem>> -> memref<80x128xf32, #tpu.memory_space<vmem>>
      %dma_start3A_95 = arith.constant 0 : i32
      %dma_start3A_96 = tpu.memref_slice %arg7[%add3A_26, %dma_start3A_95] : memref<10240x128xf32, #tpu.memory_space<vmem_shared>> -> memref<80x128xf32, #tpu.memory_space<vmem_shared>>
      %dma_start3A_97 = arith.constant 0 : i32
      %dma_start3A_98 = tpu.memref_slice %arg7[%add3A_26, %dma_start3A_97] : memref<10240x128xf32, #tpu.memory_space<vmem_shared>> -> memref<80x128xf32, #tpu.memory_space<vmem_shared>>
      %dma_start3A_99 = arith.constant 0 : i32
      %dma_start3A_100 = arith.constant 0 : i32
      %dma_start3A_101 = tpu.memref_slice %arg6[%run_scoped3A_27, %dma_start3A_99, %dma_start3A_100] : memref<2x80x128xf32, #tpu.memory_space<vmem>> -> memref<1x80x128xf32, #tpu.memory_space<vmem>>
      %dma_start3A_102 = tpu.memref_squeeze %dma_start3A_101 : memref<1x80x128xf32, #tpu.memory_space<vmem>> -> memref<80x128xf32, #tpu.memory_space<vmem>>
      tpu.enqueue_dma source(%dma_start3A_102 : memref<80x128xf32, #tpu.memory_space<vmem>>) target(%dma_start3A_98 : memref<80x128xf32, #tpu.memory_space<vmem_shared>>) target_semaphore(%run_scoped3A_90 : memref<!tpu.dma_semaphore, #tpu.memory_space<semaphore_mem>>)
      %dma_wait3A_103 = arith.constant 0 : i32
      %dma_wait3A_104 = arith.constant 0 : i32
      %dma_wait3A_105 = tpu.memref_slice %arg6[%run_scoped3A_27, %dma_wait3A_103, %dma_wait3A_104] : memref<2x80x128xf32, #tpu.memory_space<vmem>> -> memref<1x80x128xf32, #tpu.memory_space<vmem>>
      %dma_wait3A_106 = tpu.memref_squeeze %dma_wait3A_105 : memref<1x80x128xf32, #tpu.memory_space<vmem>> -> memref<80x128xf32, #tpu.memory_space<vmem>>
      %dma_wait3A_107 = arith.constant 0 : i32
      %dma_wait3A_108 = tpu.memref_slice %arg7[%add3A_26, %dma_wait3A_107] : memref<10240x128xf32, #tpu.memory_space<vmem_shared>> -> memref<80x128xf32, #tpu.memory_space<vmem_shared>>
      %dma_wait3A_109 = arith.constant 0 : i32
      %dma_wait3A_110 = tpu.memref_slice %arg7[%add3A_26, %dma_wait3A_109] : memref<10240x128xf32, #tpu.memory_space<vmem_shared>> -> memref<80x128xf32, #tpu.memory_space<vmem_shared>>
      %dma_wait3A_111 = arith.constant 0 : i32
      %dma_wait3A_112 = arith.constant 0 : i32
      %dma_wait3A_113 = tpu.memref_slice %arg6[%run_scoped3A_27, %dma_wait3A_111, %dma_wait3A_112] : memref<2x80x128xf32, #tpu.memory_space<vmem>> -> memref<1x80x128xf32, #tpu.memory_space<vmem>>
      %dma_wait3A_114 = tpu.memref_squeeze %dma_wait3A_113 : memref<1x80x128xf32, #tpu.memory_space<vmem>> -> memref<80x128xf32, #tpu.memory_space<vmem>>
      tpu.wait_dma2 semaphore(%run_scoped3A_90 : memref<!tpu.dma_semaphore, #tpu.memory_space<semaphore_mem>>) src(%dma_wait3A_114 : memref<80x128xf32, #tpu.memory_space<vmem>>) dst(%dma_wait3A_110 : memref<80x128xf32, #tpu.memory_space<vmem_shared>>)
      tpu.yield
    }) : () -> ()
    %mul3A_28 = arith.constant 640 : i32
    %mul3A_29 = arith.muli %arg1, %mul3A_28 : i32
    %add3A_30 = arith.constant 320 : i32
    %add3A_31 = arith.addi %mul3A_29, %add3A_30 : i32
    %run_scoped3A_32 = arith.constant 0 : i32
    "tpu.region"() ({
      %run_scoped3A_90 = tpu.sem_alloc : memref<!tpu.dma_semaphore, #tpu.memory_space<semaphore_mem>>
      %dma_start3A_91 = arith.constant 0 : i32
      %dma_start3A_92 = arith.constant 0 : i32
      %dma_start3A_93 = tpu.memref_slice %arg6[%run_scoped3A_32, %dma_start3A_91, %dma_start3A_92] : memref<2x80x128xf32, #tpu.memory_space<vmem>> -> memref<1x80x128xf32, #tpu.memory_space<vmem>>
      %dma_start3A_94 = tpu.memref_squeeze %dma_start3A_93 : memref<1x80x128xf32, #tpu.memory_space<vmem>> -> memref<80x128xf32, #tpu.memory_space<vmem>>
      %dma_start3A_95 = arith.constant 0 : i32
      %dma_start3A_96 = tpu.memref_slice %arg7[%add3A_31, %dma_start3A_95] : memref<10240x128xf32, #tpu.memory_space<vmem_shared>> -> memref<80x128xf32, #tpu.memory_space<vmem_shared>>
      %dma_start3A_97 = arith.constant 0 : i32
      %dma_start3A_98 = tpu.memref_slice %arg7[%add3A_31, %dma_start3A_97] : memref<10240x128xf32, #tpu.memory_space<vmem_shared>> -> memref<80x128xf32, #tpu.memory_space<vmem_shared>>
      %dma_start3A_99 = arith.constant 0 : i32
      %dma_start3A_100 = arith.constant 0 : i32
      %dma_start3A_101 = tpu.memref_slice %arg6[%run_scoped3A_32, %dma_start3A_99, %dma_start3A_100] : memref<2x80x128xf32, #tpu.memory_space<vmem>> -> memref<1x80x128xf32, #tpu.memory_space<vmem>>
      %dma_start3A_102 = tpu.memref_squeeze %dma_start3A_101 : memref<1x80x128xf32, #tpu.memory_space<vmem>> -> memref<80x128xf32, #tpu.memory_space<vmem>>
      tpu.enqueue_dma source(%dma_start3A_102 : memref<80x128xf32, #tpu.memory_space<vmem>>) target(%dma_start3A_98 : memref<80x128xf32, #tpu.memory_space<vmem_shared>>) target_semaphore(%run_scoped3A_90 : memref<!tpu.dma_semaphore, #tpu.memory_space<semaphore_mem>>)
      %dma_wait3A_103 = arith.constant 0 : i32
      %dma_wait3A_104 = arith.constant 0 : i32
      %dma_wait3A_105 = tpu.memref_slice %arg6[%run_scoped3A_32, %dma_wait3A_103, %dma_wait3A_104] : memref<2x80x128xf32, #tpu.memory_space<vmem>> -> memref<1x80x128xf32, #tpu.memory_space<vmem>>
      %dma_wait3A_106 = tpu.memref_squeeze %dma_wait3A_105 : memref<1x80x128xf32, #tpu.memory_space<vmem>> -> memref<80x128xf32, #tpu.memory_space<vmem>>
      %dma_wait3A_107 = arith.constant 0 : i32
      %dma_wait3A_108 = tpu.memref_slice %arg7[%add3A_31, %dma_wait3A_107] : memref<10240x128xf32, #tpu.memory_space<vmem_shared>> -> memref<80x128xf32, #tpu.memory_space<vmem_shared>>
      %dma_wait3A_109 = arith.constant 0 : i32
      %dma_wait3A_110 = tpu.memref_slice %arg7[%add3A_31, %dma_wait3A_109] : memref<10240x128xf32, #tpu.memory_space<vmem_shared>> -> memref<80x128xf32, #tpu.memory_space<vmem_shared>>
      %dma_wait3A_111 = arith.constant 0 : i32
      %dma_wait3A_112 = arith.constant 0 : i32
      %dma_wait3A_113 = tpu.memref_slice %arg6[%run_scoped3A_32, %dma_wait3A_111, %dma_wait3A_112] : memref<2x80x128xf32, #tpu.memory_space<vmem>> -> memref<1x80x128xf32, #tpu.memory_space<vmem>>
      %dma_wait3A_114 = tpu.memref_squeeze %dma_wait3A_113 : memref<1x80x128xf32, #tpu.memory_space<vmem>> -> memref<80x128xf32, #tpu.memory_space<vmem>>
      tpu.wait_dma2 semaphore(%run_scoped3A_90 : memref<!tpu.dma_semaphore, #tpu.memory_space<semaphore_mem>>) src(%dma_wait3A_114 : memref<80x128xf32, #tpu.memory_space<vmem>>) dst(%dma_wait3A_110 : memref<80x128xf32, #tpu.memory_space<vmem_shared>>)
      tpu.yield
    }) : () -> ()
    %mul3A_33 = arith.constant 640 : i32
    %mul3A_34 = arith.muli %arg1, %mul3A_33 : i32
    %add3A_35 = arith.constant 400 : i32
    %add3A_36 = arith.addi %mul3A_34, %add3A_35 : i32
    %run_scoped3A_37 = arith.constant 0 : i32
    "tpu.region"() ({
      %run_scoped3A_90 = tpu.sem_alloc : memref<!tpu.dma_semaphore, #tpu.memory_space<semaphore_mem>>
      %dma_start3A_91 = arith.constant 0 : i32
      %dma_start3A_92 = arith.constant 0 : i32
      %dma_start3A_93 = tpu.memref_slice %arg6[%run_scoped3A_37, %dma_start3A_91, %dma_start3A_92] : memref<2x80x128xf32, #tpu.memory_space<vmem>> -> memref<1x80x128xf32, #tpu.memory_space<vmem>>
      %dma_start3A_94 = tpu.memref_squeeze %dma_start3A_93 : memref<1x80x128xf32, #tpu.memory_space<vmem>> -> memref<80x128xf32, #tpu.memory_space<vmem>>
      %dma_start3A_95 = arith.constant 0 : i32
      %dma_start3A_96 = tpu.memref_slice %arg7[%add3A_36, %dma_start3A_95] : memref<10240x128xf32, #tpu.memory_space<vmem_shared>> -> memref<80x128xf32, #tpu.memory_space<vmem_shared>>
      %dma_start3A_97 = arith.constant 0 : i32
      %dma_start3A_98 = tpu.memref_slice %arg7[%add3A_36, %dma_start3A_97] : memref<10240x128xf32, #tpu.memory_space<vmem_shared>> -> memref<80x128xf32, #tpu.memory_space<vmem_shared>>
      %dma_start3A_99 = arith.constant 0 : i32
      %dma_start3A_100 = arith.constant 0 : i32
      %dma_start3A_101 = tpu.memref_slice %arg6[%run_scoped3A_37, %dma_start3A_99, %dma_start3A_100] : memref<2x80x128xf32, #tpu.memory_space<vmem>> -> memref<1x80x128xf32, #tpu.memory_space<vmem>>
      %dma_start3A_102 = tpu.memref_squeeze %dma_start3A_101 : memref<1x80x128xf32, #tpu.memory_space<vmem>> -> memref<80x128xf32, #tpu.memory_space<vmem>>
      tpu.enqueue_dma source(%dma_start3A_102 : memref<80x128xf32, #tpu.memory_space<vmem>>) target(%dma_start3A_98 : memref<80x128xf32, #tpu.memory_space<vmem_shared>>) target_semaphore(%run_scoped3A_90 : memref<!tpu.dma_semaphore, #tpu.memory_space<semaphore_mem>>)
      %dma_wait3A_103 = arith.constant 0 : i32
      %dma_wait3A_104 = arith.constant 0 : i32
      %dma_wait3A_105 = tpu.memref_slice %arg6[%run_scoped3A_37, %dma_wait3A_103, %dma_wait3A_104] : memref<2x80x128xf32, #tpu.memory_space<vmem>> -> memref<1x80x128xf32, #tpu.memory_space<vmem>>
      %dma_wait3A_106 = tpu.memref_squeeze %dma_wait3A_105 : memref<1x80x128xf32, #tpu.memory_space<vmem>> -> memref<80x128xf32, #tpu.memory_space<vmem>>
      %dma_wait3A_107 = arith.constant 0 : i32
      %dma_wait3A_108 = tpu.memref_slice %arg7[%add3A_36, %dma_wait3A_107] : memref<10240x128xf32, #tpu.memory_space<vmem_shared>> -> memref<80x128xf32, #tpu.memory_space<vmem_shared>>
      %dma_wait3A_109 = arith.constant 0 : i32
      %dma_wait3A_110 = tpu.memref_slice %arg7[%add3A_36, %dma_wait3A_109] : memref<10240x128xf32, #tpu.memory_space<vmem_shared>> -> memref<80x128xf32, #tpu.memory_space<vmem_shared>>
      %dma_wait3A_111 = arith.constant 0 : i32
      %dma_wait3A_112 = arith.constant 0 : i32
      %dma_wait3A_113 = tpu.memref_slice %arg6[%run_scoped3A_37, %dma_wait3A_111, %dma_wait3A_112] : memref<2x80x128xf32, #tpu.memory_space<vmem>> -> memref<1x80x128xf32, #tpu.memory_space<vmem>>
      %dma_wait3A_114 = tpu.memref_squeeze %dma_wait3A_113 : memref<1x80x128xf32, #tpu.memory_space<vmem>> -> memref<80x128xf32, #tpu.memory_space<vmem>>
      tpu.wait_dma2 semaphore(%run_scoped3A_90 : memref<!tpu.dma_semaphore, #tpu.memory_space<semaphore_mem>>) src(%dma_wait3A_114 : memref<80x128xf32, #tpu.memory_space<vmem>>) dst(%dma_wait3A_110 : memref<80x128xf32, #tpu.memory_space<vmem_shared>>)
      tpu.yield
    }) : () -> ()
    %mul3A_38 = arith.constant 640 : i32
    %mul3A_39 = arith.muli %arg1, %mul3A_38 : i32
    %add3A_40 = arith.constant 480 : i32
    %add3A_41 = arith.addi %mul3A_39, %add3A_40 : i32
    %run_scoped3A_42 = arith.constant 0 : i32
    "tpu.region"() ({
      %run_scoped3A_90 = tpu.sem_alloc : memref<!tpu.dma_semaphore, #tpu.memory_space<semaphore_mem>>
      %dma_start3A_91 = arith.constant 0 : i32
      %dma_start3A_92 = arith.constant 0 : i32
      %dma_start3A_93 = tpu.memref_slice %arg6[%run_scoped3A_42, %dma_start3A_91, %dma_start3A_92] : memref<2x80x128xf32, #tpu.memory_space<vmem>> -> memref<1x80x128xf32, #tpu.memory_space<vmem>>
      %dma_start3A_94 = tpu.memref_squeeze %dma_start3A_93 : memref<1x80x128xf32, #tpu.memory_space<vmem>> -> memref<80x128xf32, #tpu.memory_space<vmem>>
      %dma_start3A_95 = arith.constant 0 : i32
      %dma_start3A_96 = tpu.memref_slice %arg7[%add3A_41, %dma_start3A_95] : memref<10240x128xf32, #tpu.memory_space<vmem_shared>> -> memref<80x128xf32, #tpu.memory_space<vmem_shared>>
      %dma_start3A_97 = arith.constant 0 : i32
      %dma_start3A_98 = tpu.memref_slice %arg7[%add3A_41, %dma_start3A_97] : memref<10240x128xf32, #tpu.memory_space<vmem_shared>> -> memref<80x128xf32, #tpu.memory_space<vmem_shared>>
      %dma_start3A_99 = arith.constant 0 : i32
      %dma_start3A_100 = arith.constant 0 : i32
      %dma_start3A_101 = tpu.memref_slice %arg6[%run_scoped3A_42, %dma_start3A_99, %dma_start3A_100] : memref<2x80x128xf32, #tpu.memory_space<vmem>> -> memref<1x80x128xf32, #tpu.memory_space<vmem>>
      %dma_start3A_102 = tpu.memref_squeeze %dma_start3A_101 : memref<1x80x128xf32, #tpu.memory_space<vmem>> -> memref<80x128xf32, #tpu.memory_space<vmem>>
      tpu.enqueue_dma source(%dma_start3A_102 : memref<80x128xf32, #tpu.memory_space<vmem>>) target(%dma_start3A_98 : memref<80x128xf32, #tpu.memory_space<vmem_shared>>) target_semaphore(%run_scoped3A_90 : memref<!tpu.dma_semaphore, #tpu.memory_space<semaphore_mem>>)
      %dma_wait3A_103 = arith.constant 0 : i32
      %dma_wait3A_104 = arith.constant 0 : i32
      %dma_wait3A_105 = tpu.memref_slice %arg6[%run_scoped3A_42, %dma_wait3A_103, %dma_wait3A_104] : memref<2x80x128xf32, #tpu.memory_space<vmem>> -> memref<1x80x128xf32, #tpu.memory_space<vmem>>
      %dma_wait3A_106 = tpu.memref_squeeze %dma_wait3A_105 : memref<1x80x128xf32, #tpu.memory_space<vmem>> -> memref<80x128xf32, #tpu.memory_space<vmem>>
      %dma_wait3A_107 = arith.constant 0 : i32
      %dma_wait3A_108 = tpu.memref_slice %arg7[%add3A_41, %dma_wait3A_107] : memref<10240x128xf32, #tpu.memory_space<vmem_shared>> -> memref<80x128xf32, #tpu.memory_space<vmem_shared>>
      %dma_wait3A_109 = arith.constant 0 : i32
      %dma_wait3A_110 = tpu.memref_slice %arg7[%add3A_41, %dma_wait3A_109] : memref<10240x128xf32, #tpu.memory_space<vmem_shared>> -> memref<80x128xf32, #tpu.memory_space<vmem_shared>>
      %dma_wait3A_111 = arith.constant 0 : i32
      %dma_wait3A_112 = arith.constant 0 : i32
      %dma_wait3A_113 = tpu.memref_slice %arg6[%run_scoped3A_42, %dma_wait3A_111, %dma_wait3A_112] : memref<2x80x128xf32, #tpu.memory_space<vmem>> -> memref<1x80x128xf32, #tpu.memory_space<vmem>>
      %dma_wait3A_114 = tpu.memref_squeeze %dma_wait3A_113 : memref<1x80x128xf32, #tpu.memory_space<vmem>> -> memref<80x128xf32, #tpu.memory_space<vmem>>
      tpu.wait_dma2 semaphore(%run_scoped3A_90 : memref<!tpu.dma_semaphore, #tpu.memory_space<semaphore_mem>>) src(%dma_wait3A_114 : memref<80x128xf32, #tpu.memory_space<vmem>>) dst(%dma_wait3A_110 : memref<80x128xf32, #tpu.memory_space<vmem_shared>>)
      tpu.yield
    }) : () -> ()
    %mul3A_43 = arith.constant 640 : i32
    %mul3A_44 = arith.muli %arg1, %mul3A_43 : i32
    %add3A_45 = arith.constant 560 : i32
    %add3A_46 = arith.addi %mul3A_44, %add3A_45 : i32
    %run_scoped3A_47 = arith.constant 0 : i32
    "tpu.region"() ({
      %run_scoped3A_90 = tpu.sem_alloc : memref<!tpu.dma_semaphore, #tpu.memory_space<semaphore_mem>>
      %dma_start3A_91 = arith.constant 0 : i32
      %dma_start3A_92 = arith.constant 0 : i32
      %dma_start3A_93 = tpu.memref_slice %arg6[%run_scoped3A_47, %dma_start3A_91, %dma_start3A_92] : memref<2x80x128xf32, #tpu.memory_space<vmem>> -> memref<1x80x128xf32, #tpu.memory_space<vmem>>
      %dma_start3A_94 = tpu.memref_squeeze %dma_start3A_93 : memref<1x80x128xf32, #tpu.memory_space<vmem>> -> memref<80x128xf32, #tpu.memory_space<vmem>>
      %dma_start3A_95 = arith.constant 0 : i32
      %dma_start3A_96 = tpu.memref_slice %arg7[%add3A_46, %dma_start3A_95] : memref<10240x128xf32, #tpu.memory_space<vmem_shared>> -> memref<80x128xf32, #tpu.memory_space<vmem_shared>>
      %dma_start3A_97 = arith.constant 0 : i32
      %dma_start3A_98 = tpu.memref_slice %arg7[%add3A_46, %dma_start3A_97] : memref<10240x128xf32, #tpu.memory_space<vmem_shared>> -> memref<80x128xf32, #tpu.memory_space<vmem_shared>>
      %dma_start3A_99 = arith.constant 0 : i32
      %dma_start3A_100 = arith.constant 0 : i32
      %dma_start3A_101 = tpu.memref_slice %arg6[%run_scoped3A_47, %dma_start3A_99, %dma_start3A_100] : memref<2x80x128xf32, #tpu.memory_space<vmem>> -> memref<1x80x128xf32, #tpu.memory_space<vmem>>
      %dma_start3A_102 = tpu.memref_squeeze %dma_start3A_101 : memref<1x80x128xf32, #tpu.memory_space<vmem>> -> memref<80x128xf32, #tpu.memory_space<vmem>>
      tpu.enqueue_dma source(%dma_start3A_102 : memref<80x128xf32, #tpu.memory_space<vmem>>) target(%dma_start3A_98 : memref<80x128xf32, #tpu.memory_space<vmem_shared>>) target_semaphore(%run_scoped3A_90 : memref<!tpu.dma_semaphore, #tpu.memory_space<semaphore_mem>>)
      %dma_wait3A_103 = arith.constant 0 : i32
      %dma_wait3A_104 = arith.constant 0 : i32
      %dma_wait3A_105 = tpu.memref_slice %arg6[%run_scoped3A_47, %dma_wait3A_103, %dma_wait3A_104] : memref<2x80x128xf32, #tpu.memory_space<vmem>> -> memref<1x80x128xf32, #tpu.memory_space<vmem>>
      %dma_wait3A_106 = tpu.memref_squeeze %dma_wait3A_105 : memref<1x80x128xf32, #tpu.memory_space<vmem>> -> memref<80x128xf32, #tpu.memory_space<vmem>>
      %dma_wait3A_107 = arith.constant 0 : i32
      %dma_wait3A_108 = tpu.memref_slice %arg7[%add3A_46, %dma_wait3A_107] : memref<10240x128xf32, #tpu.memory_space<vmem_shared>> -> memref<80x128xf32, #tpu.memory_space<vmem_shared>>
      %dma_wait3A_109 = arith.constant 0 : i32
      %dma_wait3A_110 = tpu.memref_slice %arg7[%add3A_46, %dma_wait3A_109] : memref<10240x128xf32, #tpu.memory_space<vmem_shared>> -> memref<80x128xf32, #tpu.memory_space<vmem_shared>>
      %dma_wait3A_111 = arith.constant 0 : i32
      %dma_wait3A_112 = arith.constant 0 : i32
      %dma_wait3A_113 = tpu.memref_slice %arg6[%run_scoped3A_47, %dma_wait3A_111, %dma_wait3A_112] : memref<2x80x128xf32, #tpu.memory_space<vmem>> -> memref<1x80x128xf32, #tpu.memory_space<vmem>>
      %dma_wait3A_114 = tpu.memref_squeeze %dma_wait3A_113 : memref<1x80x128xf32, #tpu.memory_space<vmem>> -> memref<80x128xf32, #tpu.memory_space<vmem>>
      tpu.wait_dma2 semaphore(%run_scoped3A_90 : memref<!tpu.dma_semaphore, #tpu.memory_space<semaphore_mem>>) src(%dma_wait3A_114 : memref<80x128xf32, #tpu.memory_space<vmem>>) dst(%dma_wait3A_110 : memref<80x128xf32, #tpu.memory_space<vmem_shared>>)
      tpu.yield
    }) : () -> ()
    %barrier3A = arith.constant 0 : index
    tpu.barrier barrier_id(%barrier3A)
    %add3A_48 = arith.constant 0 : i32
    %add3A_49 = arith.addi %mul3A_2, %add3A_48 : i32
    %dma_start3A = arith.constant 0 : i32
    %dma_start3A_50 = arith.constant 0 : i32
    %dma_start3A_51 = arith.constant 0 : i32
    %dma_start3A_52 = arith.constant 0 : i32
    %dma_start3A_53 = tpu.memref_slice %arg6[%dma_start3A, %dma_start3A_51, %dma_start3A_52] : memref<2x80x128xf32, #tpu.memory_space<vmem>> -> memref<1x80x128xf32, #tpu.memory_space<vmem>>
    %dma_start3A_54 = tpu.memref_squeeze %dma_start3A_53 : memref<1x80x128xf32, #tpu.memory_space<vmem>> -> memref<80x128xf32, #tpu.memory_space<vmem>>
    %dma_start3A_55 = arith.constant 0 : i32
    %dma_start3A_56 = tpu.memref_slice %arg2[%add3A_49, %dma_start3A_55] : memref<320000x128xf32, #tpu.memory_space<hbm>> -> memref<80x128xf32, #tpu.memory_space<hbm>>
    %dma_start3A_57 = tpu.memref_slice %arg8[%dma_start3A_50] : memref<2x!tpu.dma_semaphore, #tpu.memory_space<semaphore_mem>> -> memref<1x!tpu.dma_semaphore, #tpu.memory_space<semaphore_mem>>
    %dma_start3A_58 = tpu.memref_squeeze %dma_start3A_57 : memref<1x!tpu.dma_semaphore, #tpu.memory_space<semaphore_mem>> -> memref<!tpu.dma_semaphore, #tpu.memory_space<semaphore_mem>>
    %dma_start3A_59 = arith.constant 0 : i32
    %dma_start3A_60 = arith.constant 0 : i32
    %dma_start3A_61 = tpu.memref_slice %arg6[%dma_start3A, %dma_start3A_59, %dma_start3A_60] : memref<2x80x128xf32, #tpu.memory_space<vmem>> -> memref<1x80x128xf32, #tpu.memory_space<vmem>>
    %dma_start3A_62 = tpu.memref_squeeze %dma_start3A_61 : memref<1x80x128xf32, #tpu.memory_space<vmem>> -> memref<80x128xf32, #tpu.memory_space<vmem>>
    %dma_start3A_63 = arith.constant 0 : i32
    %dma_start3A_64 = tpu.memref_slice %arg2[%add3A_49, %dma_start3A_63] : memref<320000x128xf32, #tpu.memory_space<hbm>> -> memref<80x128xf32, #tpu.memory_space<hbm>>
    tpu.enqueue_dma source(%dma_start3A_64 : memref<80x128xf32, #tpu.memory_space<hbm>>) target(%dma_start3A_62 : memref<80x128xf32, #tpu.memory_space<vmem>>) target_semaphore(%dma_start3A_58 : memref<!tpu.dma_semaphore, #tpu.memory_space<semaphore_mem>>)
    %scan3A_65 = arith.constant 0 : i32
    %scan3A_66 = arith.constant 0 : i32
    %scan3A_67 = arith.constant 125 : i32
    %scan3A_68 = arith.addi %scan3A_66, %scan3A_67 : i32
    %scan3A_69 = arith.constant 1 : i32
    scf.for %scan3A_90 = %scan3A_66 to %scan3A_68 step %scan3A_69  : i32 {
      %rem3A = arith.constant 2 : i32
      %rem3A_91 = arith.remsi %scan3A_90, %rem3A : i32
      %sub3A = arith.constant 1 : i32
      %sub3A_92 = arith.subi %sub3A, %rem3A_91 : i32
      %ge3A = arith.constant 1 : i32
      %ge3A_93 = arith.cmpi sge, %scan3A_90, %ge3A : i32
      %convert_element_type3A = arith.extui %ge3A_93 : i1 to i32
      %cond3A = arith.constant 0 : i32
      %cond3A_94 = arith.cmpi ne, %convert_element_type3A, %cond3A : i32
      scf.if %cond3A_94 {
        %sub3A_130 = arith.constant 1 : i32
        %sub3A_131 = arith.subi %scan3A_90, %sub3A_130 : i32
        %dma_wait3A_132 = arith.constant 0 : i32
        %dma_wait3A_133 = arith.constant 0 : i32
        %dma_wait3A_134 = tpu.memref_slice %arg6[%sub3A_92, %dma_wait3A_132, %dma_wait3A_133] : memref<2x80x128xf32, #tpu.memory_space<vmem>> -> memref<1x80x128xf32, #tpu.memory_space<vmem>>
        %dma_wait3A_135 = tpu.memref_squeeze %dma_wait3A_134 : memref<1x80x128xf32, #tpu.memory_space<vmem>> -> memref<80x128xf32, #tpu.memory_space<vmem>>
        %dma_wait3A_136 = arith.constant 0 : i32
        %dma_wait3A_137 = tpu.memref_slice %arg5[%sub3A_131, %dma_wait3A_136] : memref<125x80xi32, #tpu.memory_space<vmem>> -> memref<1x80xi32, #tpu.memory_space<vmem>>
        %dma_wait3A_138 = tpu.memref_squeeze %dma_wait3A_137 : memref<1x80xi32, #tpu.memory_space<vmem>> -> memref<80xi32, #tpu.memory_space<vmem>>
        %dma_wait3A_139 = arith.constant 0 : i32
        %dma_wait3A_140 = arith.constant 0 : i32
        %dma_wait3A_141 = tpu.memref_slice %arg7[%dma_wait3A_139, %dma_wait3A_140] : memref<10240x128xf32, #tpu.memory_space<vmem_shared>> -> memref<10240x128xf32, #tpu.memory_space<vmem_shared>>
        %dma_wait3A_142 = tpu.memref_slice %arg9[%sub3A_92] : memref<2x!tpu.dma_semaphore, #tpu.memory_space<semaphore_mem>> -> memref<1x!tpu.dma_semaphore, #tpu.memory_space<semaphore_mem>>
        %dma_wait3A_143 = tpu.memref_squeeze %dma_wait3A_142 : memref<1x!tpu.dma_semaphore, #tpu.memory_space<semaphore_mem>> -> memref<!tpu.dma_semaphore, #tpu.memory_space<semaphore_mem>>
        tpu.wait_indirect_dma semaphore(%dma_wait3A_143 : memref<!tpu.dma_semaphore, #tpu.memory_space<semaphore_mem>>) src(%dma_wait3A_135 : memref<80x128xf32, #tpu.memory_space<vmem>>) dst(%dma_wait3A_141 : memref<10240x128xf32, #tpu.memory_space<vmem_shared>>)
      } else {
      }
      %add3A_95 = arith.constant 1 : i32
      %add3A_96 = arith.addi %scan3A_90, %add3A_95 : i32
      %lt3A = arith.constant 125 : i32
      %lt3A_97 = arith.cmpi slt, %add3A_96, %lt3A : i32
      %convert_element_type3A_98 = arith.extui %lt3A_97 : i1 to i32
      %cond3A_99 = arith.constant 0 : i32
      %cond3A_100 = arith.cmpi ne, %convert_element_type3A_98, %cond3A_99 : i32
      scf.if %cond3A_100 {
        %add3A_130 = arith.constant 1 : i32
        %add3A_131 = arith.addi %scan3A_90, %add3A_130 : i32
        %mul3A_132 = arith.constant 80 : i32
        %mul3A_133 = arith.muli %add3A_131, %mul3A_132 : i32
        %add3A_134 = arith.addi %mul3A_2, %mul3A_133 : i32
        %dma_start3A_135 = arith.constant 0 : i32
        %dma_start3A_136 = arith.constant 0 : i32
        %dma_start3A_137 = tpu.memref_slice %arg6[%sub3A_92, %dma_start3A_135, %dma_start3A_136] : memref<2x80x128xf32, #tpu.memory_space<vmem>> -> memref<1x80x128xf32, #tpu.memory_space<vmem>>
        %dma_start3A_138 = tpu.memref_squeeze %dma_start3A_137 : memref<1x80x128xf32, #tpu.memory_space<vmem>> -> memref<80x128xf32, #tpu.memory_space<vmem>>
        %dma_start3A_139 = arith.constant 0 : i32
        %dma_start3A_140 = tpu.memref_slice %arg2[%add3A_134, %dma_start3A_139] : memref<320000x128xf32, #tpu.memory_space<hbm>> -> memref<80x128xf32, #tpu.memory_space<hbm>>
        %dma_start3A_141 = tpu.memref_slice %arg8[%sub3A_92] : memref<2x!tpu.dma_semaphore, #tpu.memory_space<semaphore_mem>> -> memref<1x!tpu.dma_semaphore, #tpu.memory_space<semaphore_mem>>
        %dma_start3A_142 = tpu.memref_squeeze %dma_start3A_141 : memref<1x!tpu.dma_semaphore, #tpu.memory_space<semaphore_mem>> -> memref<!tpu.dma_semaphore, #tpu.memory_space<semaphore_mem>>
        %dma_start3A_143 = arith.constant 0 : i32
        %dma_start3A_144 = arith.constant 0 : i32
        %dma_start3A_145 = tpu.memref_slice %arg6[%sub3A_92, %dma_start3A_143, %dma_start3A_144] : memref<2x80x128xf32, #tpu.memory_space<vmem>> -> memref<1x80x128xf32, #tpu.memory_space<vmem>>
        %dma_start3A_146 = tpu.memref_squeeze %dma_start3A_145 : memref<1x80x128xf32, #tpu.memory_space<vmem>> -> memref<80x128xf32, #tpu.memory_space<vmem>>
        %dma_start3A_147 = arith.constant 0 : i32
        %dma_start3A_148 = tpu.memref_slice %arg2[%add3A_134, %dma_start3A_147] : memref<320000x128xf32, #tpu.memory_space<hbm>> -> memref<80x128xf32, #tpu.memory_space<hbm>>
        tpu.enqueue_dma source(%dma_start3A_148 : memref<80x128xf32, #tpu.memory_space<hbm>>) target(%dma_start3A_146 : memref<80x128xf32, #tpu.memory_space<vmem>>) target_semaphore(%dma_start3A_142 : memref<!tpu.dma_semaphore, #tpu.memory_space<semaphore_mem>>)
      } else {
      }
      %mul3A_101 = arith.constant 80 : i32
      %mul3A_102 = arith.muli %scan3A_90, %mul3A_101 : i32
      %add3A_103 = arith.addi %mul3A_2, %mul3A_102 : i32
      %dma_wait3A_104 = arith.constant 0 : i32
      %dma_wait3A_105 = arith.constant 0 : i32
      %dma_wait3A_106 = tpu.memref_slice %arg6[%rem3A_91, %dma_wait3A_104, %dma_wait3A_105] : memref<2x80x128xf32, #tpu.memory_space<vmem>> -> memref<1x80x128xf32, #tpu.memory_space<vmem>>
      %dma_wait3A_107 = tpu.memref_squeeze %dma_wait3A_106 : memref<1x80x128xf32, #tpu.memory_space<vmem>> -> memref<80x128xf32, #tpu.memory_space<vmem>>
      %dma_wait3A_108 = arith.constant 0 : i32
      %dma_wait3A_109 = tpu.memref_slice %arg2[%add3A_103, %dma_wait3A_108] : memref<320000x128xf32, #tpu.memory_space<hbm>> -> memref<80x128xf32, #tpu.memory_space<hbm>>
      %dma_wait3A_110 = tpu.memref_slice %arg8[%rem3A_91] : memref<2x!tpu.dma_semaphore, #tpu.memory_space<semaphore_mem>> -> memref<1x!tpu.dma_semaphore, #tpu.memory_space<semaphore_mem>>
      %dma_wait3A_111 = tpu.memref_squeeze %dma_wait3A_110 : memref<1x!tpu.dma_semaphore, #tpu.memory_space<semaphore_mem>> -> memref<!tpu.dma_semaphore, #tpu.memory_space<semaphore_mem>>
      %dma_wait3A_112 = arith.constant 0 : i32
      %dma_wait3A_113 = arith.constant 0 : i32
      %dma_wait3A_114 = tpu.memref_slice %arg6[%rem3A_91, %dma_wait3A_112, %dma_wait3A_113] : memref<2x80x128xf32, #tpu.memory_space<vmem>> -> memref<1x80x128xf32, #tpu.memory_space<vmem>>
      %dma_wait3A_115 = tpu.memref_squeeze %dma_wait3A_114 : memref<1x80x128xf32, #tpu.memory_space<vmem>> -> memref<80x128xf32, #tpu.memory_space<vmem>>
      %dma_wait3A_116 = arith.constant 0 : i32
      %dma_wait3A_117 = tpu.memref_slice %arg2[%add3A_103, %dma_wait3A_116] : memref<320000x128xf32, #tpu.memory_space<hbm>> -> memref<80x128xf32, #tpu.memory_space<hbm>>
      tpu.wait_dma2 semaphore(%dma_wait3A_111 : memref<!tpu.dma_semaphore, #tpu.memory_space<semaphore_mem>>) src(%dma_wait3A_117 : memref<80x128xf32, #tpu.memory_space<hbm>>) dst(%dma_wait3A_115 : memref<80x128xf32, #tpu.memory_space<vmem>>)
      %dma_start3A_118 = arith.constant 0 : i32
      %dma_start3A_119 = arith.constant 0 : i32
      %dma_start3A_120 = tpu.memref_slice %arg6[%rem3A_91, %dma_start3A_118, %dma_start3A_119] : memref<2x80x128xf32, #tpu.memory_space<vmem>> -> memref<1x80x128xf32, #tpu.memory_space<vmem>>
      %dma_start3A_121 = tpu.memref_squeeze %dma_start3A_120 : memref<1x80x128xf32, #tpu.memory_space<vmem>> -> memref<80x128xf32, #tpu.memory_space<vmem>>
      %dma_start3A_122 = arith.constant 0 : i32
      %dma_start3A_123 = tpu.memref_slice %arg5[%scan3A_90, %dma_start3A_122] : memref<125x80xi32, #tpu.memory_space<vmem>> -> memref<1x80xi32, #tpu.memory_space<vmem>>
      %dma_start3A_124 = tpu.memref_squeeze %dma_start3A_123 : memref<1x80xi32, #tpu.memory_space<vmem>> -> memref<80xi32, #tpu.memory_space<vmem>>
      %dma_start3A_125 = arith.constant 0 : i32
      %dma_start3A_126 = arith.constant 0 : i32
      %dma_start3A_127 = tpu.memref_slice %arg7[%dma_start3A_125, %dma_start3A_126] : memref<10240x128xf32, #tpu.memory_space<vmem_shared>> -> memref<10240x128xf32, #tpu.memory_space<vmem_shared>>
      %dma_start3A_128 = tpu.memref_slice %arg9[%rem3A_91] : memref<2x!tpu.dma_semaphore, #tpu.memory_space<semaphore_mem>> -> memref<1x!tpu.dma_semaphore, #tpu.memory_space<semaphore_mem>>
      %dma_start3A_129 = tpu.memref_squeeze %dma_start3A_128 : memref<1x!tpu.dma_semaphore, #tpu.memory_space<semaphore_mem>> -> memref<!tpu.dma_semaphore, #tpu.memory_space<semaphore_mem>>
      tpu.enqueue_indirect_dma source(%dma_start3A_121 : memref<80x128xf32, #tpu.memory_space<vmem>>) target(%dma_start3A_127 : memref<10240x128xf32, #tpu.memory_space<vmem_shared>>) offsets(%dma_start3A_124 : memref<80xi32, #tpu.memory_space<vmem>>) semaphore(%dma_start3A_129 : memref<!tpu.dma_semaphore, #tpu.memory_space<semaphore_mem>>) {add = true}
    }
    %scan3A_70 = arith.constant 125 : i32
    %dma_wait3A = arith.constant 0 : i32
    %dma_wait3A_71 = arith.constant 124 : i32
    %dma_wait3A_72 = arith.constant 0 : i32
    %dma_wait3A_73 = arith.constant 0 : i32
    %dma_wait3A_74 = arith.constant 0 : i32
    %dma_wait3A_75 = tpu.memref_slice %arg6[%dma_wait3A, %dma_wait3A_73, %dma_wait3A_74] : memref<2x80x128xf32, #tpu.memory_space<vmem>> -> memref<1x80x128xf32, #tpu.memory_space<vmem>>
    %dma_wait3A_76 = tpu.memref_squeeze %dma_wait3A_75 : memref<1x80x128xf32, #tpu.memory_space<vmem>> -> memref<80x128xf32, #tpu.memory_space<vmem>>
    %dma_wait3A_77 = arith.constant 0 : i32
    %dma_wait3A_78 = tpu.memref_slice %arg5[%dma_wait3A_71, %dma_wait3A_77] : memref<125x80xi32, #tpu.memory_space<vmem>> -> memref<1x80xi32, #tpu.memory_space<vmem>>
    %dma_wait3A_79 = tpu.memref_squeeze %dma_wait3A_78 : memref<1x80xi32, #tpu.memory_space<vmem>> -> memref<80xi32, #tpu.memory_space<vmem>>
    %dma_wait3A_80 = arith.constant 0 : i32
    %dma_wait3A_81 = arith.constant 0 : i32
    %dma_wait3A_82 = tpu.memref_slice %arg7[%dma_wait3A_80, %dma_wait3A_81] : memref<10240x128xf32, #tpu.memory_space<vmem_shared>> -> memref<10240x128xf32, #tpu.memory_space<vmem_shared>>
    %dma_wait3A_83 = tpu.memref_slice %arg9[%dma_wait3A_72] : memref<2x!tpu.dma_semaphore, #tpu.memory_space<semaphore_mem>> -> memref<1x!tpu.dma_semaphore, #tpu.memory_space<semaphore_mem>>
    %dma_wait3A_84 = tpu.memref_squeeze %dma_wait3A_83 : memref<1x!tpu.dma_semaphore, #tpu.memory_space<semaphore_mem>> -> memref<!tpu.dma_semaphore, #tpu.memory_space<semaphore_mem>>
    tpu.wait_indirect_dma semaphore(%dma_wait3A_84 : memref<!tpu.dma_semaphore, #tpu.memory_space<semaphore_mem>>) src(%dma_wait3A_76 : memref<80x128xf32, #tpu.memory_space<vmem>>) dst(%dma_wait3A_82 : memref<10240x128xf32, #tpu.memory_space<vmem_shared>>)
    %barrier3A_85 = arith.constant 0 : index
    tpu.barrier barrier_id(%barrier3A_85)
    %mul3A_86 = arith.constant 640 : i32
    %mul3A_87 = arith.muli %arg1, %mul3A_86 : i32
    %mul3A_88 = arith.constant 640 : i32
    %mul3A_89 = arith.muli %arg1, %mul3A_88 : i32
    "tpu.region"() ({
      %run_scoped3A_90 = tpu.sem_alloc : memref<!tpu.dma_semaphore, #tpu.memory_space<semaphore_mem>>
      %dma_start3A_91 = arith.constant 0 : i32
      %dma_start3A_92 = tpu.memref_slice %arg4[%arg0, %mul3A_89, %dma_start3A_91] : memref<2x10240x128xf32, #tpu.memory_space<hbm>> -> memref<1x640x128xf32, #tpu.memory_space<hbm>>
      %dma_start3A_93 = tpu.memref_squeeze %dma_start3A_92 : memref<1x640x128xf32, #tpu.memory_space<hbm>> -> memref<640x128xf32, #tpu.memory_space<hbm>>
      %dma_start3A_94 = arith.constant 0 : i32
      %dma_start3A_95 = tpu.memref_slice %arg7[%mul3A_87, %dma_start3A_94] : memref<10240x128xf32, #tpu.memory_space<vmem_shared>> -> memref<640x128xf32, #tpu.memory_space<vmem_shared>>
      tpu.enqueue_dma source(%dma_start3A_95 : memref<640x128xf32, #tpu.memory_space<vmem_shared>>) target(%dma_start3A_93 : memref<640x128xf32, #tpu.memory_space<hbm>>) target_semaphore(%run_scoped3A_90 : memref<!tpu.dma_semaphore, #tpu.memory_space<semaphore_mem>>)
      %dma_wait3A_96 = arith.constant 0 : i32
      %dma_wait3A_97 = tpu.memref_slice %arg4[%arg0, %mul3A_89, %dma_wait3A_96] : memref<2x10240x128xf32, #tpu.memory_space<hbm>> -> memref<1x640x128xf32, #tpu.memory_space<hbm>>
      %dma_wait3A_98 = tpu.memref_squeeze %dma_wait3A_97 : memref<1x640x128xf32, #tpu.memory_space<hbm>> -> memref<640x128xf32, #tpu.memory_space<hbm>>
      %dma_wait3A_99 = arith.constant 0 : i32
      %dma_wait3A_100 = tpu.memref_slice %arg7[%mul3A_87, %dma_wait3A_99] : memref<10240x128xf32, #tpu.memory_space<vmem_shared>> -> memref<640x128xf32, #tpu.memory_space<vmem_shared>>
      tpu.wait_dma2 semaphore(%run_scoped3A_90 : memref<!tpu.dma_semaphore, #tpu.memory_space<semaphore_mem>>) src(%dma_wait3A_100 : memref<640x128xf32, #tpu.memory_space<vmem_shared>>) dst(%dma_wait3A_98 : memref<640x128xf32, #tpu.memory_space<hbm>>)
      tpu.yield
    }) : () -> ()
    return
  }
}

#map = affine_map<(d0, d1) -> (0, 0)>
#map1 = affine_map<(d0, d1) -> (0, 0, 0)>
module attributes {stable_mosaic.version = 14 : i64} {
  func.func @k1(%arg0: i32, %arg1: i32, %arg2: memref<10000x128xf32, #tpu.memory_space<hbm>>, %arg3: memref<10000x128xf32, #tpu.memory_space<hbm>>, %arg4: memref<32x125x80xi32, #tpu.memory_space<hbm>>, %arg5: memref<32x125x80xi32, #tpu.memory_space<hbm>>, %arg6: memref<320000x128xf32, #tpu.memory_space<hbm>>, %arg7: memref<320000x128xf32, #tpu.memory_space<hbm>>, %arg8: memref<125x80xi32, #tpu.memory_space<vmem>>, %arg9: memref<125x80xi32, #tpu.memory_space<vmem>>, %arg10: memref<4x80x128xf32, #tpu.memory_space<vmem>>, %arg11: memref<4x80x128xf32, #tpu.memory_space<vmem>>, %arg12: memref<4x!tpu.dma_semaphore, #tpu.memory_space<semaphore_mem>>, %arg13: memref<4x!tpu.dma_semaphore, #tpu.memory_space<semaphore_mem>>) attributes {dimension_semantics = [#tpu.dimension_semantics<core_parallel>, #tpu.dimension_semantics<subcore_parallel>], iteration_bounds = array<i64: 2, 16>, scalar_prefetch = 0 : i64, scratch_operands = 6 : i64, tpu.core_type = #tpu.core_type<sc_vector_subcore>, window_params = [{transform_indices = #map}, {transform_indices = #map}, {transform_indices = #map1}, {transform_indices = #map1}, {transform_indices = #map}, {transform_indices = #map}]} {
    %mul3A = arith.constant 2 : i32
    %mul3A_0 = arith.muli %arg1, %mul3A : i32
    %add3A = arith.addi %mul3A_0, %arg0 : i32
    %mul3A_1 = arith.constant 10000 : i32
    %mul3A_2 = arith.muli %add3A, %mul3A_1 : i32
    "tpu.region"() ({
      %run_scoped3A = tpu.sem_alloc : memref<!tpu.dma_semaphore, #tpu.memory_space<semaphore_mem>>
      %dma_start3A_130 = arith.constant 0 : i32
      %dma_start3A_131 = arith.constant 0 : i32
      %dma_start3A_132 = tpu.memref_slice %arg4[%add3A, %dma_start3A_130, %dma_start3A_131] : memref<32x125x80xi32, #tpu.memory_space<hbm>> -> memref<1x125x80xi32, #tpu.memory_space<hbm>>
      %dma_start3A_133 = tpu.memref_squeeze %dma_start3A_132 : memref<1x125x80xi32, #tpu.memory_space<hbm>> -> memref<125x80xi32, #tpu.memory_space<hbm>>
      %dma_start3A_134 = arith.constant 0 : i32
      %dma_start3A_135 = arith.constant 0 : i32
      %dma_start3A_136 = tpu.memref_slice %arg4[%add3A, %dma_start3A_134, %dma_start3A_135] : memref<32x125x80xi32, #tpu.memory_space<hbm>> -> memref<1x125x80xi32, #tpu.memory_space<hbm>>
      %dma_start3A_137 = tpu.memref_squeeze %dma_start3A_136 : memref<1x125x80xi32, #tpu.memory_space<hbm>> -> memref<125x80xi32, #tpu.memory_space<hbm>>
      tpu.enqueue_dma source(%dma_start3A_137 : memref<125x80xi32, #tpu.memory_space<hbm>>) target(%arg8 : memref<125x80xi32, #tpu.memory_space<vmem>>) target_semaphore(%run_scoped3A : memref<!tpu.dma_semaphore, #tpu.memory_space<semaphore_mem>>)
      %dma_wait3A_138 = arith.constant 0 : i32
      %dma_wait3A_139 = arith.constant 0 : i32
      %dma_wait3A_140 = tpu.memref_slice %arg4[%add3A, %dma_wait3A_138, %dma_wait3A_139] : memref<32x125x80xi32, #tpu.memory_space<hbm>> -> memref<1x125x80xi32, #tpu.memory_space<hbm>>
      %dma_wait3A_141 = tpu.memref_squeeze %dma_wait3A_140 : memref<1x125x80xi32, #tpu.memory_space<hbm>> -> memref<125x80xi32, #tpu.memory_space<hbm>>
      %dma_wait3A_142 = arith.constant 0 : i32
      %dma_wait3A_143 = arith.constant 0 : i32
      %dma_wait3A_144 = tpu.memref_slice %arg4[%add3A, %dma_wait3A_142, %dma_wait3A_143] : memref<32x125x80xi32, #tpu.memory_space<hbm>> -> memref<1x125x80xi32, #tpu.memory_space<hbm>>
      %dma_wait3A_145 = tpu.memref_squeeze %dma_wait3A_144 : memref<1x125x80xi32, #tpu.memory_space<hbm>> -> memref<125x80xi32, #tpu.memory_space<hbm>>
      tpu.wait_dma2 semaphore(%run_scoped3A : memref<!tpu.dma_semaphore, #tpu.memory_space<semaphore_mem>>) src(%dma_wait3A_145 : memref<125x80xi32, #tpu.memory_space<hbm>>) dst(%arg8 : memref<125x80xi32, #tpu.memory_space<vmem>>)
      tpu.yield
    }) : () -> ()
    "tpu.region"() ({
      %run_scoped3A = tpu.sem_alloc : memref<!tpu.dma_semaphore, #tpu.memory_space<semaphore_mem>>
      %dma_start3A_130 = arith.constant 0 : i32
      %dma_start3A_131 = arith.constant 0 : i32
      %dma_start3A_132 = tpu.memref_slice %arg5[%add3A, %dma_start3A_130, %dma_start3A_131] : memref<32x125x80xi32, #tpu.memory_space<hbm>> -> memref<1x125x80xi32, #tpu.memory_space<hbm>>
      %dma_start3A_133 = tpu.memref_squeeze %dma_start3A_132 : memref<1x125x80xi32, #tpu.memory_space<hbm>> -> memref<125x80xi32, #tpu.memory_space<hbm>>
      %dma_start3A_134 = arith.constant 0 : i32
      %dma_start3A_135 = arith.constant 0 : i32
      %dma_start3A_136 = tpu.memref_slice %arg5[%add3A, %dma_start3A_134, %dma_start3A_135] : memref<32x125x80xi32, #tpu.memory_space<hbm>> -> memref<1x125x80xi32, #tpu.memory_space<hbm>>
      %dma_start3A_137 = tpu.memref_squeeze %dma_start3A_136 : memref<1x125x80xi32, #tpu.memory_space<hbm>> -> memref<125x80xi32, #tpu.memory_space<hbm>>
      tpu.enqueue_dma source(%dma_start3A_137 : memref<125x80xi32, #tpu.memory_space<hbm>>) target(%arg9 : memref<125x80xi32, #tpu.memory_space<vmem>>) target_semaphore(%run_scoped3A : memref<!tpu.dma_semaphore, #tpu.memory_space<semaphore_mem>>)
      %dma_wait3A_138 = arith.constant 0 : i32
      %dma_wait3A_139 = arith.constant 0 : i32
      %dma_wait3A_140 = tpu.memref_slice %arg5[%add3A, %dma_wait3A_138, %dma_wait3A_139] : memref<32x125x80xi32, #tpu.memory_space<hbm>> -> memref<1x125x80xi32, #tpu.memory_space<hbm>>
      %dma_wait3A_141 = tpu.memref_squeeze %dma_wait3A_140 : memref<1x125x80xi32, #tpu.memory_space<hbm>> -> memref<125x80xi32, #tpu.memory_space<hbm>>
      %dma_wait3A_142 = arith.constant 0 : i32
      %dma_wait3A_143 = arith.constant 0 : i32
      %dma_wait3A_144 = tpu.memref_slice %arg5[%add3A, %dma_wait3A_142, %dma_wait3A_143] : memref<32x125x80xi32, #tpu.memory_space<hbm>> -> memref<1x125x80xi32, #tpu.memory_space<hbm>>
      %dma_wait3A_145 = tpu.memref_squeeze %dma_wait3A_144 : memref<1x125x80xi32, #tpu.memory_space<hbm>> -> memref<125x80xi32, #tpu.memory_space<hbm>>
      tpu.wait_dma2 semaphore(%run_scoped3A : memref<!tpu.dma_semaphore, #tpu.memory_space<semaphore_mem>>) src(%dma_wait3A_145 : memref<125x80xi32, #tpu.memory_space<hbm>>) dst(%arg9 : memref<125x80xi32, #tpu.memory_space<vmem>>)
      tpu.yield
    }) : () -> ()
    %dma_start3A = arith.constant 0 : i32
    %dma_start3A_3 = arith.constant 0 : i32
    %dma_start3A_4 = arith.constant 0 : i32
    %dma_start3A_5 = arith.constant 0 : i32
    %dma_start3A_6 = arith.constant 0 : i32
    %dma_start3A_7 = tpu.memref_slice %arg10[%dma_start3A_3, %dma_start3A_5, %dma_start3A_6] : memref<4x80x128xf32, #tpu.memory_space<vmem>> -> memref<1x80x128xf32, #tpu.memory_space<vmem>>
    %dma_start3A_8 = tpu.memref_squeeze %dma_start3A_7 : memref<1x80x128xf32, #tpu.memory_space<vmem>> -> memref<80x128xf32, #tpu.memory_space<vmem>>
    %dma_start3A_9 = arith.constant 0 : i32
    %dma_start3A_10 = tpu.memref_slice %arg8[%dma_start3A, %dma_start3A_9] : memref<125x80xi32, #tpu.memory_space<vmem>> -> memref<1x80xi32, #tpu.memory_space<vmem>>
    %dma_start3A_11 = tpu.memref_squeeze %dma_start3A_10 : memref<1x80xi32, #tpu.memory_space<vmem>> -> memref<80xi32, #tpu.memory_space<vmem>>
    %dma_start3A_12 = arith.constant 0 : i32
    %dma_start3A_13 = arith.constant 0 : i32
    %dma_start3A_14 = tpu.memref_slice %arg2[%dma_start3A_12, %dma_start3A_13] : memref<10000x128xf32, #tpu.memory_space<hbm>> -> memref<10000x128xf32, #tpu.memory_space<hbm>>
    %dma_start3A_15 = tpu.memref_slice %arg12[%dma_start3A_4] : memref<4x!tpu.dma_semaphore, #tpu.memory_space<semaphore_mem>> -> memref<1x!tpu.dma_semaphore, #tpu.memory_space<semaphore_mem>>
    %dma_start3A_16 = tpu.memref_squeeze %dma_start3A_15 : memref<1x!tpu.dma_semaphore, #tpu.memory_space<semaphore_mem>> -> memref<!tpu.dma_semaphore, #tpu.memory_space<semaphore_mem>>
    tpu.enqueue_indirect_dma source(%dma_start3A_14 : memref<10000x128xf32, #tpu.memory_space<hbm>>) target(%dma_start3A_8 : memref<80x128xf32, #tpu.memory_space<vmem>>) offsets(%dma_start3A_11 : memref<80xi32, #tpu.memory_space<vmem>>) semaphore(%dma_start3A_16 : memref<!tpu.dma_semaphore, #tpu.memory_space<semaphore_mem>>)
    %dma_start3A_17 = arith.constant 0 : i32
    %dma_start3A_18 = arith.constant 0 : i32
    %dma_start3A_19 = arith.constant 0 : i32
    %dma_start3A_20 = arith.constant 0 : i32
    %dma_start3A_21 = arith.constant 0 : i32
    %dma_start3A_22 = tpu.memref_slice %arg11[%dma_start3A_18, %dma_start3A_20, %dma_start3A_21] : memref<4x80x128xf32, #tpu.memory_space<vmem>> -> memref<1x80x128xf32, #tpu.memory_space<vmem>>
    %dma_start3A_23 = tpu.memref_squeeze %dma_start3A_22 : memref<1x80x128xf32, #tpu.memory_space<vmem>> -> memref<80x128xf32, #tpu.memory_space<vmem>>
    %dma_start3A_24 = arith.constant 0 : i32
    %dma_start3A_25 = tpu.memref_slice %arg9[%dma_start3A_17, %dma_start3A_24] : memref<125x80xi32, #tpu.memory_space<vmem>> -> memref<1x80xi32, #tpu.memory_space<vmem>>
    %dma_start3A_26 = tpu.memref_squeeze %dma_start3A_25 : memref<1x80xi32, #tpu.memory_space<vmem>> -> memref<80xi32, #tpu.memory_space<vmem>>
    %dma_start3A_27 = arith.constant 0 : i32
    %dma_start3A_28 = arith.constant 0 : i32
    %dma_start3A_29 = tpu.memref_slice %arg3[%dma_start3A_27, %dma_start3A_28] : memref<10000x128xf32, #tpu.memory_space<hbm>> -> memref<10000x128xf32, #tpu.memory_space<hbm>>
    %dma_start3A_30 = tpu.memref_slice %arg12[%dma_start3A_19] : memref<4x!tpu.dma_semaphore, #tpu.memory_space<semaphore_mem>> -> memref<1x!tpu.dma_semaphore, #tpu.memory_space<semaphore_mem>>
    %dma_start3A_31 = tpu.memref_squeeze %dma_start3A_30 : memref<1x!tpu.dma_semaphore, #tpu.memory_space<semaphore_mem>> -> memref<!tpu.dma_semaphore, #tpu.memory_space<semaphore_mem>>
    tpu.enqueue_indirect_dma source(%dma_start3A_29 : memref<10000x128xf32, #tpu.memory_space<hbm>>) target(%dma_start3A_23 : memref<80x128xf32, #tpu.memory_space<vmem>>) offsets(%dma_start3A_26 : memref<80xi32, #tpu.memory_space<vmem>>) semaphore(%dma_start3A_31 : memref<!tpu.dma_semaphore, #tpu.memory_space<semaphore_mem>>)
    %dma_start3A_32 = arith.constant 1 : i32
    %dma_start3A_33 = arith.constant 1 : i32
    %dma_start3A_34 = arith.constant 1 : i32
    %dma_start3A_35 = arith.constant 0 : i32
    %dma_start3A_36 = arith.constant 0 : i32
    %dma_start3A_37 = tpu.memref_slice %arg10[%dma_start3A_33, %dma_start3A_35, %dma_start3A_36] : memref<4x80x128xf32, #tpu.memory_space<vmem>> -> memref<1x80x128xf32, #tpu.memory_space<vmem>>
    %dma_start3A_38 = tpu.memref_squeeze %dma_start3A_37 : memref<1x80x128xf32, #tpu.memory_space<vmem>> -> memref<80x128xf32, #tpu.memory_space<vmem>>
    %dma_start3A_39 = arith.constant 0 : i32
    %dma_start3A_40 = tpu.memref_slice %arg8[%dma_start3A_32, %dma_start3A_39] : memref<125x80xi32, #tpu.memory_space<vmem>> -> memref<1x80xi32, #tpu.memory_space<vmem>>
    %dma_start3A_41 = tpu.memref_squeeze %dma_start3A_40 : memref<1x80xi32, #tpu.memory_space<vmem>> -> memref<80xi32, #tpu.memory_space<vmem>>
    %dma_start3A_42 = arith.constant 0 : i32
    %dma_start3A_43 = arith.constant 0 : i32
    %dma_start3A_44 = tpu.memref_slice %arg2[%dma_start3A_42, %dma_start3A_43] : memref<10000x128xf32, #tpu.memory_space<hbm>> -> memref<10000x128xf32, #tpu.memory_space<hbm>>
    %dma_start3A_45 = tpu.memref_slice %arg12[%dma_start3A_34] : memref<4x!tpu.dma_semaphore, #tpu.memory_space<semaphore_mem>> -> memref<1x!tpu.dma_semaphore, #tpu.memory_space<semaphore_mem>>
    %dma_start3A_46 = tpu.memref_squeeze %dma_start3A_45 : memref<1x!tpu.dma_semaphore, #tpu.memory_space<semaphore_mem>> -> memref<!tpu.dma_semaphore, #tpu.memory_space<semaphore_mem>>
    tpu.enqueue_indirect_dma source(%dma_start3A_44 : memref<10000x128xf32, #tpu.memory_space<hbm>>) target(%dma_start3A_38 : memref<80x128xf32, #tpu.memory_space<vmem>>) offsets(%dma_start3A_41 : memref<80xi32, #tpu.memory_space<vmem>>) semaphore(%dma_start3A_46 : memref<!tpu.dma_semaphore, #tpu.memory_space<semaphore_mem>>)
    %dma_start3A_47 = arith.constant 1 : i32
    %dma_start3A_48 = arith.constant 1 : i32
    %dma_start3A_49 = arith.constant 1 : i32
    %dma_start3A_50 = arith.constant 0 : i32
    %dma_start3A_51 = arith.constant 0 : i32
    %dma_start3A_52 = tpu.memref_slice %arg11[%dma_start3A_48, %dma_start3A_50, %dma_start3A_51] : memref<4x80x128xf32, #tpu.memory_space<vmem>> -> memref<1x80x128xf32, #tpu.memory_space<vmem>>
    %dma_start3A_53 = tpu.memref_squeeze %dma_start3A_52 : memref<1x80x128xf32, #tpu.memory_space<vmem>> -> memref<80x128xf32, #tpu.memory_space<vmem>>
    %dma_start3A_54 = arith.constant 0 : i32
    %dma_start3A_55 = tpu.memref_slice %arg9[%dma_start3A_47, %dma_start3A_54] : memref<125x80xi32, #tpu.memory_space<vmem>> -> memref<1x80xi32, #tpu.memory_space<vmem>>
    %dma_start3A_56 = tpu.memref_squeeze %dma_start3A_55 : memref<1x80xi32, #tpu.memory_space<vmem>> -> memref<80xi32, #tpu.memory_space<vmem>>
    %dma_start3A_57 = arith.constant 0 : i32
    %dma_start3A_58 = arith.constant 0 : i32
    %dma_start3A_59 = tpu.memref_slice %arg3[%dma_start3A_57, %dma_start3A_58] : memref<10000x128xf32, #tpu.memory_space<hbm>> -> memref<10000x128xf32, #tpu.memory_space<hbm>>
    %dma_start3A_60 = tpu.memref_slice %arg12[%dma_start3A_49] : memref<4x!tpu.dma_semaphore, #tpu.memory_space<semaphore_mem>> -> memref<1x!tpu.dma_semaphore, #tpu.memory_space<semaphore_mem>>
    %dma_start3A_61 = tpu.memref_squeeze %dma_start3A_60 : memref<1x!tpu.dma_semaphore, #tpu.memory_space<semaphore_mem>> -> memref<!tpu.dma_semaphore, #tpu.memory_space<semaphore_mem>>
    tpu.enqueue_indirect_dma source(%dma_start3A_59 : memref<10000x128xf32, #tpu.memory_space<hbm>>) target(%dma_start3A_53 : memref<80x128xf32, #tpu.memory_space<vmem>>) offsets(%dma_start3A_56 : memref<80xi32, #tpu.memory_space<vmem>>) semaphore(%dma_start3A_61 : memref<!tpu.dma_semaphore, #tpu.memory_space<semaphore_mem>>)
    %dma_start3A_62 = arith.constant 2 : i32
    %dma_start3A_63 = arith.constant 2 : i32
    %dma_start3A_64 = arith.constant 2 : i32
    %dma_start3A_65 = arith.constant 0 : i32
    %dma_start3A_66 = arith.constant 0 : i32
    %dma_start3A_67 = tpu.memref_slice %arg10[%dma_start3A_63, %dma_start3A_65, %dma_start3A_66] : memref<4x80x128xf32, #tpu.memory_space<vmem>> -> memref<1x80x128xf32, #tpu.memory_space<vmem>>
    %dma_start3A_68 = tpu.memref_squeeze %dma_start3A_67 : memref<1x80x128xf32, #tpu.memory_space<vmem>> -> memref<80x128xf32, #tpu.memory_space<vmem>>
    %dma_start3A_69 = arith.constant 0 : i32
    %dma_start3A_70 = tpu.memref_slice %arg8[%dma_start3A_62, %dma_start3A_69] : memref<125x80xi32, #tpu.memory_space<vmem>> -> memref<1x80xi32, #tpu.memory_space<vmem>>
    %dma_start3A_71 = tpu.memref_squeeze %dma_start3A_70 : memref<1x80xi32, #tpu.memory_space<vmem>> -> memref<80xi32, #tpu.memory_space<vmem>>
    %dma_start3A_72 = arith.constant 0 : i32
    %dma_start3A_73 = arith.constant 0 : i32
    %dma_start3A_74 = tpu.memref_slice %arg2[%dma_start3A_72, %dma_start3A_73] : memref<10000x128xf32, #tpu.memory_space<hbm>> -> memref<10000x128xf32, #tpu.memory_space<hbm>>
    %dma_start3A_75 = tpu.memref_slice %arg12[%dma_start3A_64] : memref<4x!tpu.dma_semaphore, #tpu.memory_space<semaphore_mem>> -> memref<1x!tpu.dma_semaphore, #tpu.memory_space<semaphore_mem>>
    %dma_start3A_76 = tpu.memref_squeeze %dma_start3A_75 : memref<1x!tpu.dma_semaphore, #tpu.memory_space<semaphore_mem>> -> memref<!tpu.dma_semaphore, #tpu.memory_space<semaphore_mem>>
    tpu.enqueue_indirect_dma source(%dma_start3A_74 : memref<10000x128xf32, #tpu.memory_space<hbm>>) target(%dma_start3A_68 : memref<80x128xf32, #tpu.memory_space<vmem>>) offsets(%dma_start3A_71 : memref<80xi32, #tpu.memory_space<vmem>>) semaphore(%dma_start3A_76 : memref<!tpu.dma_semaphore, #tpu.memory_space<semaphore_mem>>)
    %dma_start3A_77 = arith.constant 2 : i32
    %dma_start3A_78 = arith.constant 2 : i32
    %dma_start3A_79 = arith.constant 2 : i32
    %dma_start3A_80 = arith.constant 0 : i32
    %dma_start3A_81 = arith.constant 0 : i32
    %dma_start3A_82 = tpu.memref_slice %arg11[%dma_start3A_78, %dma_start3A_80, %dma_start3A_81] : memref<4x80x128xf32, #tpu.memory_space<vmem>> -> memref<1x80x128xf32, #tpu.memory_space<vmem>>
    %dma_start3A_83 = tpu.memref_squeeze %dma_start3A_82 : memref<1x80x128xf32, #tpu.memory_space<vmem>> -> memref<80x128xf32, #tpu.memory_space<vmem>>
    %dma_start3A_84 = arith.constant 0 : i32
    %dma_start3A_85 = tpu.memref_slice %arg9[%dma_start3A_77, %dma_start3A_84] : memref<125x80xi32, #tpu.memory_space<vmem>> -> memref<1x80xi32, #tpu.memory_space<vmem>>
    %dma_start3A_86 = tpu.memref_squeeze %dma_start3A_85 : memref<1x80xi32, #tpu.memory_space<vmem>> -> memref<80xi32, #tpu.memory_space<vmem>>
    %dma_start3A_87 = arith.constant 0 : i32
    %dma_start3A_88 = arith.constant 0 : i32
    %dma_start3A_89 = tpu.memref_slice %arg3[%dma_start3A_87, %dma_start3A_88] : memref<10000x128xf32, #tpu.memory_space<hbm>> -> memref<10000x128xf32, #tpu.memory_space<hbm>>
    %dma_start3A_90 = tpu.memref_slice %arg12[%dma_start3A_79] : memref<4x!tpu.dma_semaphore, #tpu.memory_space<semaphore_mem>> -> memref<1x!tpu.dma_semaphore, #tpu.memory_space<semaphore_mem>>
    %dma_start3A_91 = tpu.memref_squeeze %dma_start3A_90 : memref<1x!tpu.dma_semaphore, #tpu.memory_space<semaphore_mem>> -> memref<!tpu.dma_semaphore, #tpu.memory_space<semaphore_mem>>
    tpu.enqueue_indirect_dma source(%dma_start3A_89 : memref<10000x128xf32, #tpu.memory_space<hbm>>) target(%dma_start3A_83 : memref<80x128xf32, #tpu.memory_space<vmem>>) offsets(%dma_start3A_86 : memref<80xi32, #tpu.memory_space<vmem>>) semaphore(%dma_start3A_91 : memref<!tpu.dma_semaphore, #tpu.memory_space<semaphore_mem>>)
    %scan3A = arith.constant 0 : i32
    %scan3A_92 = arith.constant 0 : i32
    %scan3A_93 = arith.constant 125 : i32
    %scan3A_94 = arith.addi %scan3A_92, %scan3A_93 : i32
    %scan3A_95 = arith.constant 1 : i32
    scf.for %scan3A_130 = %scan3A_92 to %scan3A_94 step %scan3A_95  : i32 {
      %rem3A = arith.constant 4 : i32
      %rem3A_131 = arith.remsi %scan3A_130, %rem3A : i32
      %add3A_132 = arith.constant 3 : i32
      %add3A_133 = arith.addi %scan3A_130, %add3A_132 : i32
      %rem3A_134 = arith.constant 4 : i32
      %rem3A_135 = arith.remsi %add3A_133, %rem3A_134 : i32
      %ge3A = arith.constant 1 : i32
      %ge3A_136 = arith.cmpi sge, %scan3A_130, %ge3A : i32
      %convert_element_type3A = arith.extui %ge3A_136 : i1 to i32
      %cond3A = arith.constant 0 : i32
      %cond3A_137 = arith.cmpi ne, %convert_element_type3A, %cond3A : i32
      scf.if %cond3A_137 {
        %sub3A = arith.constant 1 : i32
        %sub3A_199 = arith.subi %scan3A_130, %sub3A : i32
        %mul3A_200 = arith.constant 80 : i32
        %mul3A_201 = arith.muli %sub3A_199, %mul3A_200 : i32
        %add3A_202 = arith.addi %mul3A_2, %mul3A_201 : i32
        %dma_wait3A_203 = arith.constant 0 : i32
        %dma_wait3A_204 = arith.constant 0 : i32
        %dma_wait3A_205 = tpu.memref_slice %arg10[%rem3A_135, %dma_wait3A_203, %dma_wait3A_204] : memref<4x80x128xf32, #tpu.memory_space<vmem>> -> memref<1x80x128xf32, #tpu.memory_space<vmem>>
        %dma_wait3A_206 = tpu.memref_squeeze %dma_wait3A_205 : memref<1x80x128xf32, #tpu.memory_space<vmem>> -> memref<80x128xf32, #tpu.memory_space<vmem>>
        %dma_wait3A_207 = arith.constant 0 : i32
        %dma_wait3A_208 = tpu.memref_slice %arg6[%add3A_202, %dma_wait3A_207] : memref<320000x128xf32, #tpu.memory_space<hbm>> -> memref<80x128xf32, #tpu.memory_space<hbm>>
        %dma_wait3A_209 = tpu.memref_slice %arg13[%rem3A_135] : memref<4x!tpu.dma_semaphore, #tpu.memory_space<semaphore_mem>> -> memref<1x!tpu.dma_semaphore, #tpu.memory_space<semaphore_mem>>
        %dma_wait3A_210 = tpu.memref_squeeze %dma_wait3A_209 : memref<1x!tpu.dma_semaphore, #tpu.memory_space<semaphore_mem>> -> memref<!tpu.dma_semaphore, #tpu.memory_space<semaphore_mem>>
        %dma_wait3A_211 = arith.constant 0 : i32
        %dma_wait3A_212 = tpu.memref_slice %arg6[%add3A_202, %dma_wait3A_211] : memref<320000x128xf32, #tpu.memory_space<hbm>> -> memref<80x128xf32, #tpu.memory_space<hbm>>
        %dma_wait3A_213 = arith.constant 0 : i32
        %dma_wait3A_214 = arith.constant 0 : i32
        %dma_wait3A_215 = tpu.memref_slice %arg10[%rem3A_135, %dma_wait3A_213, %dma_wait3A_214] : memref<4x80x128xf32, #tpu.memory_space<vmem>> -> memref<1x80x128xf32, #tpu.memory_space<vmem>>
        %dma_wait3A_216 = tpu.memref_squeeze %dma_wait3A_215 : memref<1x80x128xf32, #tpu.memory_space<vmem>> -> memref<80x128xf32, #tpu.memory_space<vmem>>
        tpu.wait_dma2 semaphore(%dma_wait3A_210 : memref<!tpu.dma_semaphore, #tpu.memory_space<semaphore_mem>>) src(%dma_wait3A_216 : memref<80x128xf32, #tpu.memory_space<vmem>>) dst(%dma_wait3A_212 : memref<80x128xf32, #tpu.memory_space<hbm>>)
        %dma_wait3A_217 = arith.constant 0 : i32
        %dma_wait3A_218 = arith.constant 0 : i32
        %dma_wait3A_219 = tpu.memref_slice %arg11[%rem3A_135, %dma_wait3A_217, %dma_wait3A_218] : memref<4x80x128xf32, #tpu.memory_space<vmem>> -> memref<1x80x128xf32, #tpu.memory_space<vmem>>
        %dma_wait3A_220 = tpu.memref_squeeze %dma_wait3A_219 : memref<1x80x128xf32, #tpu.memory_space<vmem>> -> memref<80x128xf32, #tpu.memory_space<vmem>>
        %dma_wait3A_221 = arith.constant 0 : i32
        %dma_wait3A_222 = tpu.memref_slice %arg7[%add3A_202, %dma_wait3A_221] : memref<320000x128xf32, #tpu.memory_space<hbm>> -> memref<80x128xf32, #tpu.memory_space<hbm>>
        %dma_wait3A_223 = tpu.memref_slice %arg13[%rem3A_135] : memref<4x!tpu.dma_semaphore, #tpu.memory_space<semaphore_mem>> -> memref<1x!tpu.dma_semaphore, #tpu.memory_space<semaphore_mem>>
        %dma_wait3A_224 = tpu.memref_squeeze %dma_wait3A_223 : memref<1x!tpu.dma_semaphore, #tpu.memory_space<semaphore_mem>> -> memref<!tpu.dma_semaphore, #tpu.memory_space<semaphore_mem>>
        %dma_wait3A_225 = arith.constant 0 : i32
        %dma_wait3A_226 = tpu.memref_slice %arg7[%add3A_202, %dma_wait3A_225] : memref<320000x128xf32, #tpu.memory_space<hbm>> -> memref<80x128xf32, #tpu.memory_space<hbm>>
        %dma_wait3A_227 = arith.constant 0 : i32
        %dma_wait3A_228 = arith.constant 0 : i32
        %dma_wait3A_229 = tpu.memref_slice %arg11[%rem3A_135, %dma_wait3A_227, %dma_wait3A_228] : memref<4x80x128xf32, #tpu.memory_space<vmem>> -> memref<1x80x128xf32, #tpu.memory_space<vmem>>
        %dma_wait3A_230 = tpu.memref_squeeze %dma_wait3A_229 : memref<1x80x128xf32, #tpu.memory_space<vmem>> -> memref<80x128xf32, #tpu.memory_space<vmem>>
        tpu.wait_dma2 semaphore(%dma_wait3A_224 : memref<!tpu.dma_semaphore, #tpu.memory_space<semaphore_mem>>) src(%dma_wait3A_230 : memref<80x128xf32, #tpu.memory_space<vmem>>) dst(%dma_wait3A_226 : memref<80x128xf32, #tpu.memory_space<hbm>>)
      } else {
      }
      %add3A_138 = arith.constant 3 : i32
      %add3A_139 = arith.addi %scan3A_130, %add3A_138 : i32
      %lt3A = arith.constant 125 : i32
      %lt3A_140 = arith.cmpi slt, %add3A_139, %lt3A : i32
      %convert_element_type3A_141 = arith.extui %lt3A_140 : i1 to i32
      %cond3A_142 = arith.constant 0 : i32
      %cond3A_143 = arith.cmpi ne, %convert_element_type3A_141, %cond3A_142 : i32
      scf.if %cond3A_143 {
        %add3A_199 = arith.constant 3 : i32
        %add3A_200 = arith.addi %scan3A_130, %add3A_199 : i32
        %dma_start3A_201 = arith.constant 0 : i32
        %dma_start3A_202 = arith.constant 0 : i32
        %dma_start3A_203 = tpu.memref_slice %arg10[%rem3A_135, %dma_start3A_201, %dma_start3A_202] : memref<4x80x128xf32, #tpu.memory_space<vmem>> -> memref<1x80x128xf32, #tpu.memory_space<vmem>>
        %dma_start3A_204 = tpu.memref_squeeze %dma_start3A_203 : memref<1x80x128xf32, #tpu.memory_space<vmem>> -> memref<80x128xf32, #tpu.memory_space<vmem>>
        %dma_start3A_205 = arith.constant 0 : i32
        %dma_start3A_206 = tpu.memref_slice %arg8[%add3A_200, %dma_start3A_205] : memref<125x80xi32, #tpu.memory_space<vmem>> -> memref<1x80xi32, #tpu.memory_space<vmem>>
        %dma_start3A_207 = tpu.memref_squeeze %dma_start3A_206 : memref<1x80xi32, #tpu.memory_space<vmem>> -> memref<80xi32, #tpu.memory_space<vmem>>
        %dma_start3A_208 = arith.constant 0 : i32
        %dma_start3A_209 = arith.constant 0 : i32
        %dma_start3A_210 = tpu.memref_slice %arg2[%dma_start3A_208, %dma_start3A_209] : memref<10000x128xf32, #tpu.memory_space<hbm>> -> memref<10000x128xf32, #tpu.memory_space<hbm>>
        %dma_start3A_211 = tpu.memref_slice %arg12[%rem3A_135] : memref<4x!tpu.dma_semaphore, #tpu.memory_space<semaphore_mem>> -> memref<1x!tpu.dma_semaphore, #tpu.memory_space<semaphore_mem>>
        %dma_start3A_212 = tpu.memref_squeeze %dma_start3A_211 : memref<1x!tpu.dma_semaphore, #tpu.memory_space<semaphore_mem>> -> memref<!tpu.dma_semaphore, #tpu.memory_space<semaphore_mem>>
        tpu.enqueue_indirect_dma source(%dma_start3A_210 : memref<10000x128xf32, #tpu.memory_space<hbm>>) target(%dma_start3A_204 : memref<80x128xf32, #tpu.memory_space<vmem>>) offsets(%dma_start3A_207 : memref<80xi32, #tpu.memory_space<vmem>>) semaphore(%dma_start3A_212 : memref<!tpu.dma_semaphore, #tpu.memory_space<semaphore_mem>>)
        %dma_start3A_213 = arith.constant 0 : i32
        %dma_start3A_214 = arith.constant 0 : i32
        %dma_start3A_215 = tpu.memref_slice %arg11[%rem3A_135, %dma_start3A_213, %dma_start3A_214] : memref<4x80x128xf32, #tpu.memory_space<vmem>> -> memref<1x80x128xf32, #tpu.memory_space<vmem>>
        %dma_start3A_216 = tpu.memref_squeeze %dma_start3A_215 : memref<1x80x128xf32, #tpu.memory_space<vmem>> -> memref<80x128xf32, #tpu.memory_space<vmem>>
        %dma_start3A_217 = arith.constant 0 : i32
        %dma_start3A_218 = tpu.memref_slice %arg9[%add3A_200, %dma_start3A_217] : memref<125x80xi32, #tpu.memory_space<vmem>> -> memref<1x80xi32, #tpu.memory_space<vmem>>
        %dma_start3A_219 = tpu.memref_squeeze %dma_start3A_218 : memref<1x80xi32, #tpu.memory_space<vmem>> -> memref<80xi32, #tpu.memory_space<vmem>>
        %dma_start3A_220 = arith.constant 0 : i32
        %dma_start3A_221 = arith.constant 0 : i32
        %dma_start3A_222 = tpu.memref_slice %arg3[%dma_start3A_220, %dma_start3A_221] : memref<10000x128xf32, #tpu.memory_space<hbm>> -> memref<10000x128xf32, #tpu.memory_space<hbm>>
        %dma_start3A_223 = tpu.memref_slice %arg12[%rem3A_135] : memref<4x!tpu.dma_semaphore, #tpu.memory_space<semaphore_mem>> -> memref<1x!tpu.dma_semaphore, #tpu.memory_space<semaphore_mem>>
        %dma_start3A_224 = tpu.memref_squeeze %dma_start3A_223 : memref<1x!tpu.dma_semaphore, #tpu.memory_space<semaphore_mem>> -> memref<!tpu.dma_semaphore, #tpu.memory_space<semaphore_mem>>
        tpu.enqueue_indirect_dma source(%dma_start3A_222 : memref<10000x128xf32, #tpu.memory_space<hbm>>) target(%dma_start3A_216 : memref<80x128xf32, #tpu.memory_space<vmem>>) offsets(%dma_start3A_219 : memref<80xi32, #tpu.memory_space<vmem>>) semaphore(%dma_start3A_224 : memref<!tpu.dma_semaphore, #tpu.memory_space<semaphore_mem>>)
      } else {
      }
      %dma_wait3A_144 = arith.constant 0 : i32
      %dma_wait3A_145 = arith.constant 0 : i32
      %dma_wait3A_146 = tpu.memref_slice %arg10[%rem3A_131, %dma_wait3A_144, %dma_wait3A_145] : memref<4x80x128xf32, #tpu.memory_space<vmem>> -> memref<1x80x128xf32, #tpu.memory_space<vmem>>
      %dma_wait3A_147 = tpu.memref_squeeze %dma_wait3A_146 : memref<1x80x128xf32, #tpu.memory_space<vmem>> -> memref<80x128xf32, #tpu.memory_space<vmem>>
      %dma_wait3A_148 = arith.constant 0 : i32
      %dma_wait3A_149 = tpu.memref_slice %arg8[%scan3A_130, %dma_wait3A_148] : memref<125x80xi32, #tpu.memory_space<vmem>> -> memref<1x80xi32, #tpu.memory_space<vmem>>
      %dma_wait3A_150 = tpu.memref_squeeze %dma_wait3A_149 : memref<1x80xi32, #tpu.memory_space<vmem>> -> memref<80xi32, #tpu.memory_space<vmem>>
      %dma_wait3A_151 = arith.constant 0 : i32
      %dma_wait3A_152 = arith.constant 0 : i32
      %dma_wait3A_153 = tpu.memref_slice %arg2[%dma_wait3A_151, %dma_wait3A_152] : memref<10000x128xf32, #tpu.memory_space<hbm>> -> memref<10000x128xf32, #tpu.memory_space<hbm>>
      %dma_wait3A_154 = tpu.memref_slice %arg12[%rem3A_131] : memref<4x!tpu.dma_semaphore, #tpu.memory_space<semaphore_mem>> -> memref<1x!tpu.dma_semaphore, #tpu.memory_space<semaphore_mem>>
      %dma_wait3A_155 = tpu.memref_squeeze %dma_wait3A_154 : memref<1x!tpu.dma_semaphore, #tpu.memory_space<semaphore_mem>> -> memref<!tpu.dma_semaphore, #tpu.memory_space<semaphore_mem>>
      tpu.wait_indirect_dma semaphore(%dma_wait3A_155 : memref<!tpu.dma_semaphore, #tpu.memory_space<semaphore_mem>>) src(%dma_wait3A_153 : memref<10000x128xf32, #tpu.memory_space<hbm>>) dst(%dma_wait3A_147 : memref<80x128xf32, #tpu.memory_space<vmem>>)
      %dma_wait3A_156 = arith.constant 0 : i32
      %dma_wait3A_157 = arith.constant 0 : i32
      %dma_wait3A_158 = tpu.memref_slice %arg11[%rem3A_131, %dma_wait3A_156, %dma_wait3A_157] : memref<4x80x128xf32, #tpu.memory_space<vmem>> -> memref<1x80x128xf32, #tpu.memory_space<vmem>>
      %dma_wait3A_159 = tpu.memref_squeeze %dma_wait3A_158 : memref<1x80x128xf32, #tpu.memory_space<vmem>> -> memref<80x128xf32, #tpu.memory_space<vmem>>
      %dma_wait3A_160 = arith.constant 0 : i32
      %dma_wait3A_161 = tpu.memref_slice %arg9[%scan3A_130, %dma_wait3A_160] : memref<125x80xi32, #tpu.memory_space<vmem>> -> memref<1x80xi32, #tpu.memory_space<vmem>>
      %dma_wait3A_162 = tpu.memref_squeeze %dma_wait3A_161 : memref<1x80xi32, #tpu.memory_space<vmem>> -> memref<80xi32, #tpu.memory_space<vmem>>
      %dma_wait3A_163 = arith.constant 0 : i32
      %dma_wait3A_164 = arith.constant 0 : i32
      %dma_wait3A_165 = tpu.memref_slice %arg3[%dma_wait3A_163, %dma_wait3A_164] : memref<10000x128xf32, #tpu.memory_space<hbm>> -> memref<10000x128xf32, #tpu.memory_space<hbm>>
      %dma_wait3A_166 = tpu.memref_slice %arg12[%rem3A_131] : memref<4x!tpu.dma_semaphore, #tpu.memory_space<semaphore_mem>> -> memref<1x!tpu.dma_semaphore, #tpu.memory_space<semaphore_mem>>
      %dma_wait3A_167 = tpu.memref_squeeze %dma_wait3A_166 : memref<1x!tpu.dma_semaphore, #tpu.memory_space<semaphore_mem>> -> memref<!tpu.dma_semaphore, #tpu.memory_space<semaphore_mem>>
      tpu.wait_indirect_dma semaphore(%dma_wait3A_167 : memref<!tpu.dma_semaphore, #tpu.memory_space<semaphore_mem>>) src(%dma_wait3A_165 : memref<10000x128xf32, #tpu.memory_space<hbm>>) dst(%dma_wait3A_159 : memref<80x128xf32, #tpu.memory_space<vmem>>)
      %mul3A_168 = arith.constant 80 : i32
      %mul3A_169 = arith.muli %scan3A_130, %mul3A_168 : i32
      %add3A_170 = arith.addi %mul3A_2, %mul3A_169 : i32
      %dma_start3A_171 = arith.constant 0 : i32
      %dma_start3A_172 = arith.constant 0 : i32
      %dma_start3A_173 = tpu.memref_slice %arg10[%rem3A_131, %dma_start3A_171, %dma_start3A_172] : memref<4x80x128xf32, #tpu.memory_space<vmem>> -> memref<1x80x128xf32, #tpu.memory_space<vmem>>
      %dma_start3A_174 = tpu.memref_squeeze %dma_start3A_173 : memref<1x80x128xf32, #tpu.memory_space<vmem>> -> memref<80x128xf32, #tpu.memory_space<vmem>>
      %dma_start3A_175 = arith.constant 0 : i32
      %dma_start3A_176 = tpu.memref_slice %arg6[%add3A_170, %dma_start3A_175] : memref<320000x128xf32, #tpu.memory_space<hbm>> -> memref<80x128xf32, #tpu.memory_space<hbm>>
      %dma_start3A_177 = tpu.memref_slice %arg13[%rem3A_131] : memref<4x!tpu.dma_semaphore, #tpu.memory_space<semaphore_mem>> -> memref<1x!tpu.dma_semaphore, #tpu.memory_space<semaphore_mem>>
      %dma_start3A_178 = tpu.memref_squeeze %dma_start3A_177 : memref<1x!tpu.dma_semaphore, #tpu.memory_space<semaphore_mem>> -> memref<!tpu.dma_semaphore, #tpu.memory_space<semaphore_mem>>
      %dma_start3A_179 = arith.constant 0 : i32
      %dma_start3A_180 = tpu.memref_slice %arg6[%add3A_170, %dma_start3A_179] : memref<320000x128xf32, #tpu.memory_space<hbm>> -> memref<80x128xf32, #tpu.memory_space<hbm>>
      %dma_start3A_181 = arith.constant 0 : i32
      %dma_start3A_182 = arith.constant 0 : i32
      %dma_start3A_183 = tpu.memref_slice %arg10[%rem3A_131, %dma_start3A_181, %dma_start3A_182] : memref<4x80x128xf32, #tpu.memory_space<vmem>> -> memref<1x80x128xf32, #tpu.memory_space<vmem>>
      %dma_start3A_184 = tpu.memref_squeeze %dma_start3A_183 : memref<1x80x128xf32, #tpu.memory_space<vmem>> -> memref<80x128xf32, #tpu.memory_space<vmem>>
      tpu.enqueue_dma source(%dma_start3A_184 : memref<80x128xf32, #tpu.memory_space<vmem>>) target(%dma_start3A_180 : memref<80x128xf32, #tpu.memory_space<hbm>>) target_semaphore(%dma_start3A_178 : memref<!tpu.dma_semaphore, #tpu.memory_space<semaphore_mem>>)
      %dma_start3A_185 = arith.constant 0 : i32
      %dma_start3A_186 = arith.constant 0 : i32
      %dma_start3A_187 = tpu.memref_slice %arg11[%rem3A_131, %dma_start3A_185, %dma_start3A_186] : memref<4x80x128xf32, #tpu.memory_space<vmem>> -> memref<1x80x128xf32, #tpu.memory_space<vmem>>
      %dma_start3A_188 = tpu.memref_squeeze %dma_start3A_187 : memref<1x80x128xf32, #tpu.memory_space<vmem>> -> memref<80x128xf32, #tpu.memory_space<vmem>>
      %dma_start3A_189 = arith.constant 0 : i32
      %dma_start3A_190 = tpu.memref_slice %arg7[%add3A_170, %dma_start3A_189] : memref<320000x128xf32, #tpu.memory_space<hbm>> -> memref<80x128xf32, #tpu.memory_space<hbm>>
      %dma_start3A_191 = tpu.memref_slice %arg13[%rem3A_131] : memref<4x!tpu.dma_semaphore, #tpu.memory_space<semaphore_mem>> -> memref<1x!tpu.dma_semaphore, #tpu.memory_space<semaphore_mem>>
      %dma_start3A_192 = tpu.memref_squeeze %dma_start3A_191 : memref<1x!tpu.dma_semaphore, #tpu.memory_space<semaphore_mem>> -> memref<!tpu.dma_semaphore, #tpu.memory_space<semaphore_mem>>
      %dma_start3A_193 = arith.constant 0 : i32
      %dma_start3A_194 = tpu.memref_slice %arg7[%add3A_170, %dma_start3A_193] : memref<320000x128xf32, #tpu.memory_space<hbm>> -> memref<80x128xf32, #tpu.memory_space<hbm>>
      %dma_start3A_195 = arith.constant 0 : i32
      %dma_start3A_196 = arith.constant 0 : i32
      %dma_start3A_197 = tpu.memref_slice %arg11[%rem3A_131, %dma_start3A_195, %dma_start3A_196] : memref<4x80x128xf32, #tpu.memory_space<vmem>> -> memref<1x80x128xf32, #tpu.memory_space<vmem>>
      %dma_start3A_198 = tpu.memref_squeeze %dma_start3A_197 : memref<1x80x128xf32, #tpu.memory_space<vmem>> -> memref<80x128xf32, #tpu.memory_space<vmem>>
      tpu.enqueue_dma source(%dma_start3A_198 : memref<80x128xf32, #tpu.memory_space<vmem>>) target(%dma_start3A_194 : memref<80x128xf32, #tpu.memory_space<hbm>>) target_semaphore(%dma_start3A_192 : memref<!tpu.dma_semaphore, #tpu.memory_space<semaphore_mem>>)
    }
    %scan3A_96 = arith.constant 125 : i32
    %add3A_97 = arith.constant 9920 : i32
    %add3A_98 = arith.addi %mul3A_2, %add3A_97 : i32
    %dma_wait3A = arith.constant 0 : i32
    %dma_wait3A_99 = arith.constant 0 : i32
    %dma_wait3A_100 = arith.constant 0 : i32
    %dma_wait3A_101 = arith.constant 0 : i32
    %dma_wait3A_102 = tpu.memref_slice %arg10[%dma_wait3A, %dma_wait3A_100, %dma_wait3A_101] : memref<4x80x128xf32, #tpu.memory_space<vmem>> -> memref<1x80x128xf32, #tpu.memory_space<vmem>>
    %dma_wait3A_103 = tpu.memref_squeeze %dma_wait3A_102 : memref<1x80x128xf32, #tpu.memory_space<vmem>> -> memref<80x128xf32, #tpu.memory_space<vmem>>
    %dma_wait3A_104 = arith.constant 0 : i32
    %dma_wait3A_105 = tpu.memref_slice %arg6[%add3A_98, %dma_wait3A_104] : memref<320000x128xf32, #tpu.memory_space<hbm>> -> memref<80x128xf32, #tpu.memory_space<hbm>>
    %dma_wait3A_106 = tpu.memref_slice %arg13[%dma_wait3A_99] : memref<4x!tpu.dma_semaphore, #tpu.memory_space<semaphore_mem>> -> memref<1x!tpu.dma_semaphore, #tpu.memory_space<semaphore_mem>>
    %dma_wait3A_107 = tpu.memref_squeeze %dma_wait3A_106 : memref<1x!tpu.dma_semaphore, #tpu.memory_space<semaphore_mem>> -> memref<!tpu.dma_semaphore, #tpu.memory_space<semaphore_mem>>
    %dma_wait3A_108 = arith.constant 0 : i32
    %dma_wait3A_109 = tpu.memref_slice %arg6[%add3A_98, %dma_wait3A_108] : memref<320000x128xf32, #tpu.memory_space<hbm>> -> memref<80x128xf32, #tpu.memory_space<hbm>>
    %dma_wait3A_110 = arith.constant 0 : i32
    %dma_wait3A_111 = arith.constant 0 : i32
    %dma_wait3A_112 = tpu.memref_slice %arg10[%dma_wait3A, %dma_wait3A_110, %dma_wait3A_111] : memref<4x80x128xf32, #tpu.memory_space<vmem>> -> memref<1x80x128xf32, #tpu.memory_space<vmem>>
    %dma_wait3A_113 = tpu.memref_squeeze %dma_wait3A_112 : memref<1x80x128xf32, #tpu.memory_space<vmem>> -> memref<80x128xf32, #tpu.memory_space<vmem>>
    tpu.wait_dma2 semaphore(%dma_wait3A_107 : memref<!tpu.dma_semaphore, #tpu.memory_space<semaphore_mem>>) src(%dma_wait3A_113 : memref<80x128xf32, #tpu.memory_space<vmem>>) dst(%dma_wait3A_109 : memref<80x128xf32, #tpu.memory_space<hbm>>)
    %dma_wait3A_114 = arith.constant 0 : i32
    %dma_wait3A_115 = arith.constant 0 : i32
    %dma_wait3A_116 = arith.constant 0 : i32
    %dma_wait3A_117 = arith.constant 0 : i32
    %dma_wait3A_118 = tpu.memref_slice %arg11[%dma_wait3A_114, %dma_wait3A_116, %dma_wait3A_117] : memref<4x80x128xf32, #tpu.memory_space<vmem>> -> memref<1x80x128xf32, #tpu.memory_space<vmem>>
    %dma_wait3A_119 = tpu.memref_squeeze %dma_wait3A_118 : memref<1x80x128xf32, #tpu.memory_space<vmem>> -> memref<80x128xf32, #tpu.memory_space<vmem>>
    %dma_wait3A_120 = arith.constant 0 : i32
    %dma_wait3A_121 = tpu.memref_slice %arg7[%add3A_98, %dma_wait3A_120] : memref<320000x128xf32, #tpu.memory_space<hbm>> -> memref<80x128xf32, #tpu.memory_space<hbm>>
    %dma_wait3A_122 = tpu.memref_slice %arg13[%dma_wait3A_115] : memref<4x!tpu.dma_semaphore, #tpu.memory_space<semaphore_mem>> -> memref<1x!tpu.dma_semaphore, #tpu.memory_space<semaphore_mem>>
    %dma_wait3A_123 = tpu.memref_squeeze %dma_wait3A_122 : memref<1x!tpu.dma_semaphore, #tpu.memory_space<semaphore_mem>> -> memref<!tpu.dma_semaphore, #tpu.memory_space<semaphore_mem>>
    %dma_wait3A_124 = arith.constant 0 : i32
    %dma_wait3A_125 = tpu.memref_slice %arg7[%add3A_98, %dma_wait3A_124] : memref<320000x128xf32, #tpu.memory_space<hbm>> -> memref<80x128xf32, #tpu.memory_space<hbm>>
    %dma_wait3A_126 = arith.constant 0 : i32
    %dma_wait3A_127 = arith.constant 0 : i32
    %dma_wait3A_128 = tpu.memref_slice %arg11[%dma_wait3A_114, %dma_wait3A_126, %dma_wait3A_127] : memref<4x80x128xf32, #tpu.memory_space<vmem>> -> memref<1x80x128xf32, #tpu.memory_space<vmem>>
    %dma_wait3A_129 = tpu.memref_squeeze %dma_wait3A_128 : memref<1x80x128xf32, #tpu.memory_space<vmem>> -> memref<80x128xf32, #tpu.memory_space<vmem>>
    tpu.wait_dma2 semaphore(%dma_wait3A_123 : memref<!tpu.dma_semaphore, #tpu.memory_space<semaphore_mem>>) src(%dma_wait3A_129 : memref<80x128xf32, #tpu.memory_space<vmem>>) dst(%dma_wait3A_125 : memref<80x128xf32, #tpu.memory_space<hbm>>)
    return
  }
}

module attributes {stable_mosaic.version = 14 : i64} {
  func.func @_k0_body(%arg0: memref<10000x128xf32, #tpu.memory_space<vmem>>, %arg1: memref<128x128xf32, #tpu.memory_space<vmem>>, %arg2: memref<128x128xf32, #tpu.memory_space<vmem>>, %arg3: memref<10000x128xf32, #tpu.memory_space<vmem>>, %arg4: memref<10000x128xf32, #tpu.memory_space<vmem>>) attributes {dimension_semantics = [], scalar_prefetch = 0 : i64, scratch_operands = 0 : i64, tpu.core_type = #tpu.core_type<tc>} {
    %get3A = arith.constant 0 : index
    %get3A_0 = arith.constant 0 : index
    %get3A_1 = vector.load %arg0[%get3A, %get3A_0] : memref<10000x128xf32, #tpu.memory_space<vmem>>, vector<10000x128xf32>
    %get3A_2 = arith.constant 0 : index
    %get3A_3 = arith.constant 0 : index
    %get3A_4 = vector.load %arg1[%get3A_2, %get3A_3] : memref<128x128xf32, #tpu.memory_space<vmem>>, vector<128x128xf32>
    %dot_general3A = arith.constant dense<0.000000e+00> : vector<10000x128xf32>
    %dot_general3A_5 = tpu.matmul %get3A_1, %get3A_4, %dot_general3A {dimension_numbers = #tpu.dot_dimension_numbers<[1], [0], [0], [1], [0, 0, 1, 1], [], []>, transpose_lhs_hint = false} : vector<10000x128xf32>, vector<128x128xf32>, vector<10000x128xf32> -> vector<10000x128xf32>
    %swap3A = arith.constant 0 : index
    %swap3A_6 = arith.constant 0 : index
    %swap3A_7 = vector.load %arg3[%swap3A, %swap3A_6] : memref<10000x128xf32, #tpu.memory_space<vmem>>, vector<10000x128xf32>
    tpu.vector_store %arg3[%swap3A, %swap3A_6], %dot_general3A_5 {strides = array<i32>} : memref<10000x128xf32, #tpu.memory_space<vmem>>, vector<10000x128xf32>,
    %get3A_8 = arith.constant 0 : index
    %get3A_9 = arith.constant 0 : index
    %get3A_10 = vector.load %arg2[%get3A_8, %get3A_9] : memref<128x128xf32, #tpu.memory_space<vmem>>, vector<128x128xf32>
    %dot_general3A_11 = arith.constant dense<0.000000e+00> : vector<10000x128xf32>
    %dot_general3A_12 = tpu.matmul %get3A_1, %get3A_10, %dot_general3A_11 {dimension_numbers = #tpu.dot_dimension_numbers<[1], [0], [0], [1], [0, 0, 1, 1], [], []>, transpose_lhs_hint = false} : vector<10000x128xf32>, vector<128x128xf32>, vector<10000x128xf32> -> vector<10000x128xf32>
    %swap3A_13 = arith.constant 0 : index
    %swap3A_14 = arith.constant 0 : index
    %swap3A_15 = vector.load %arg4[%swap3A_13, %swap3A_14] : memref<10000x128xf32, #tpu.memory_space<vmem>>, vector<10000x128xf32>
    tpu.vector_store %arg4[%swap3A_13, %swap3A_14], %dot_general3A_12 {strides = array<i32>} : memref<10000x128xf32, #tpu.memory_space<vmem>>, vector<10000x128xf32>,
    return
  }
}

module attributes {stable_mosaic.version = 14 : i64} {
  func.func @_k2_body(%arg0: i32, %arg1: memref<2000x128xf32, #tpu.memory_space<vmem>>, %arg2: memref<2000x128xf32, #tpu.memory_space<vmem>>, %arg3: memref<2000x16xf32, #tpu.memory_space<vmem>>, %arg4: memref<16x128xf32, #tpu.memory_space<vmem>>, %arg5: memref<1x128xf32, #tpu.memory_space<vmem>>, %arg6: memref<128x64xf32, #tpu.memory_space<vmem>>, %arg7: memref<1x64xf32, #tpu.memory_space<vmem>>, %arg8: memref<64x64xf32, #tpu.memory_space<vmem>>, %arg9: memref<1x64xf32, #tpu.memory_space<vmem>>, %arg10: memref<1x64xf32, #tpu.memory_space<vmem>>, %arg11: memref<1x1xf32, #tpu.memory_space<vmem>>, %arg12: memref<64x128xf32, #tpu.memory_space<vmem>>, %arg13: memref<1x128xf32, #tpu.memory_space<vmem>>, %arg14: memref<128x64xf32, #tpu.memory_space<vmem>>, %arg15: memref<1x64xf32, #tpu.memory_space<vmem>>, %arg16: memref<2000x128xf32, #tpu.memory_space<vmem>>) attributes {dimension_semantics = [#tpu.dimension_semantics<arbitrary>], iteration_bounds = array<i64: 160>, scalar_prefetch = 0 : i64, scratch_operands = 0 : i64, tpu.core_type = #tpu.core_type<tc>, window_params = [{transform_indices = @transform_0, window_bounds = array<i64: 2000, 128>}, {transform_indices = @transform_1, window_bounds = array<i64: 2000, 128>}, {transform_indices = @transform_2, window_bounds = array<i64: 2000, 16>}, {pipeline_mode = #tpu.pipeline_mode<synchronous>, transform_indices = @transform_3, window_bounds = array<i64: 16, 128>}, {pipeline_mode = #tpu.pipeline_mode<synchronous>, transform_indices = @transform_4, window_bounds = array<i64: 1, 128>}, {pipeline_mode = #tpu.pipeline_mode<synchronous>, transform_indices = @transform_5, window_bounds = array<i64: 128, 64>}, {pipeline_mode = #tpu.pipeline_mode<synchronous>, transform_indices = @transform_6, window_bounds = array<i64: 1, 64>}, {pipeline_mode = #tpu.pipeline_mode<synchronous>, transform_indices = @transform_7, window_bounds = array<i64: 64, 64>}, {pipeline_mode = #tpu.pipeline_mode<synchronous>, transform_indices = @transform_8, window_bounds = array<i64: 1, 64>}, {pipeline_mode = #tpu.pipeline_mode<synchronous>, transform_indices = @transform_9, window_bounds = array<i64: 1, 64>}, {pipeline_mode = #tpu.pipeline_mode<synchronous>, transform_indices = @transform_10, window_bounds = array<i64: 1, 1>}, {pipeline_mode = #tpu.pipeline_mode<synchronous>, transform_indices = @transform_11, window_bounds = array<i64: 64, 128>}, {pipeline_mode = #tpu.pipeline_mode<synchronous>, transform_indices = @transform_12, window_bounds = array<i64: 1, 128>}, {pipeline_mode = #tpu.pipeline_mode<synchronous>, transform_indices = @transform_13, window_bounds = array<i64: 128, 64>}, {pipeline_mode = #tpu.pipeline_mode<synchronous>, transform_indices = @transform_14, window_bounds = array<i64: 1, 64>}, {transform_indices = @transform_15, window_bounds = array<i64: 2000, 128>}]} {
    %get3A = arith.constant 0 : index
    %get3A_0 = arith.constant 0 : index
    %get3A_1 = vector.load %arg1[%get3A, %get3A_0] : memref<2000x128xf32, #tpu.memory_space<vmem>>, vector<2000x128xf32>
    %get3A_2 = arith.constant 0 : index
    %get3A_3 = arith.constant 0 : index
    %get3A_4 = vector.load %arg2[%get3A_2, %get3A_3] : memref<2000x128xf32, #tpu.memory_space<vmem>>, vector<2000x128xf32>
    %add3A = arith.addf %get3A_1, %get3A_4 : vector<2000x128xf32>
    %get3A_5 = arith.constant 0 : index
    %get3A_6 = arith.constant 0 : index
    %get3A_7 = vector.load %arg5[%get3A_5, %get3A_6] : memref<1x128xf32, #tpu.memory_space<vmem>>, vector<1x128xf32>
    %add3A_8 = vector.broadcast %get3A_7 : vector<1x128xf32> to vector<2000x128xf32>
    %add3A_9 = arith.addf %add3A, %add3A_8 : vector<2000x128xf32>
    %get3A_10 = arith.constant 0 : index
    %get3A_11 = arith.constant 0 : index
    %get3A_12 = vector.load %arg3[%get3A_10, %get3A_11] : memref<2000x16xf32, #tpu.memory_space<vmem>>, vector<2000x16xf32>
    %get3A_13 = arith.constant 0 : index
    %get3A_14 = arith.constant 0 : index
    %get3A_15 = vector.load %arg4[%get3A_13, %get3A_14] : memref<16x128xf32, #tpu.memory_space<vmem>>, vector<16x128xf32>
    %dot_general3A = arith.constant dense<0.000000e+00> : vector<2000x128xf32>
    %dot_general3A_16 = tpu.matmul %get3A_12, %get3A_15, %dot_general3A {dimension_numbers = #tpu.dot_dimension_numbers<[1], [0], [0], [1], [0, 0, 1, 1], [], []>, transpose_lhs_hint = false} : vector<2000x16xf32>, vector<16x128xf32>, vector<2000x128xf32> -> vector<2000x128xf32>
    %add3A_17 = arith.addf %add3A_9, %dot_general3A_16 : vector<2000x128xf32>
    %max3A = arith.constant 0.000000e+00 : f32
    %max3A_18 = vector.broadcast %max3A : f32 to vector<2000x128xf32>
    %max3A_19 = arith.maximumf %add3A_17, %max3A_18 : vector<2000x128xf32>
    %get3A_20 = arith.constant 0 : index
    %get3A_21 = arith.constant 0 : index
    %get3A_22 = vector.load %arg6[%get3A_20, %get3A_21] : memref<128x64xf32, #tpu.memory_space<vmem>>, vector<128x64xf32>
    %dot_general3A_23 = arith.constant dense<0.000000e+00> : vector<2000x64xf32>
    %dot_general3A_24 = tpu.matmul %max3A_19, %get3A_22, %dot_general3A_23 {dimension_numbers = #tpu.dot_dimension_numbers<[1], [0], [0], [1], [0, 0, 1, 1], [], []>, transpose_lhs_hint = false} : vector<2000x128xf32>, vector<128x64xf32>, vector<2000x64xf32> -> vector<2000x64xf32>
    %get3A_25 = arith.constant 0 : index
    %get3A_26 = arith.constant 0 : index
    %get3A_27 = vector.load %arg7[%get3A_25, %get3A_26] : memref<1x64xf32, #tpu.memory_space<vmem>>, vector<1x64xf32>
    %add3A_28 = vector.broadcast %get3A_27 : vector<1x64xf32> to vector<2000x64xf32>
    %add3A_29 = arith.addf %dot_general3A_24, %add3A_28 : vector<2000x64xf32>
    %max3A_30 = arith.constant 0.000000e+00 : f32
    %max3A_31 = vector.broadcast %max3A_30 : f32 to vector<2000x64xf32>
    %max3A_32 = arith.maximumf %add3A_29, %max3A_31 : vector<2000x64xf32>
    %get3A_33 = arith.constant 0 : index
    %get3A_34 = arith.constant 0 : index
    %get3A_35 = vector.load %arg8[%get3A_33, %get3A_34] : memref<64x64xf32, #tpu.memory_space<vmem>>, vector<64x64xf32>
    %dot_general3A_36 = arith.constant dense<0.000000e+00> : vector<2000x64xf32>
    %dot_general3A_37 = tpu.matmul %max3A_32, %get3A_35, %dot_general3A_36 {dimension_numbers = #tpu.dot_dimension_numbers<[1], [0], [0], [1], [0, 0, 1, 1], [], []>, transpose_lhs_hint = false} : vector<2000x64xf32>, vector<64x64xf32>, vector<2000x64xf32> -> vector<2000x64xf32>
    %get3A_38 = arith.constant 0 : index
    %get3A_39 = arith.constant 0 : index
    %get3A_40 = vector.load %arg9[%get3A_38, %get3A_39] : memref<1x64xf32, #tpu.memory_space<vmem>>, vector<1x64xf32>
    %add3A_41 = vector.broadcast %get3A_40 : vector<1x64xf32> to vector<2000x64xf32>
    %add3A_42 = arith.addf %dot_general3A_37, %add3A_41 : vector<2000x64xf32>
    %max3A_43 = arith.constant 0.000000e+00 : f32
    %max3A_44 = vector.broadcast %max3A_43 : f32 to vector<2000x64xf32>
    %max3A_45 = arith.maximumf %add3A_42, %max3A_44 : vector<2000x64xf32>
    %get3A_46 = arith.constant 0 : index
    %get3A_47 = arith.constant 0 : index
    %get3A_48 = vector.load %arg10[%get3A_46, %get3A_47] : memref<1x64xf32, #tpu.memory_space<vmem>>, vector<1x64xf32>
    %mul3A = vector.broadcast %get3A_48 : vector<1x64xf32> to vector<2000x64xf32>
    %mul3A_49 = arith.mulf %max3A_45, %mul3A : vector<2000x64xf32>
    %reduce_sum3A = arith.constant dense<0.000000e+00> : vector<2000xf32>
    %reduce_sum3A_50 = vector.multi_reduction <add>, %mul3A_49, %reduce_sum3A [1] : vector<2000x64xf32> to vector<2000xf32>
    %broadcast_in_dim3A = vector.shape_cast %reduce_sum3A_50 : vector<2000xf32> to vector<2000x1xf32>
    %get3A_51 = arith.constant 0 : index
    %get3A_52 = arith.constant 0 : index
    %get3A_53 = vector.load %arg11[%get3A_51, %get3A_52] : memref<1x1xf32, #tpu.memory_space<vmem>>, vector<1x1xf32>
    %add3A_54 = vector.broadcast %get3A_53 : vector<1x1xf32> to vector<2000x1xf32>
    %add3A_55 = arith.addf %broadcast_in_dim3A, %add3A_54 : vector<2000x1xf32>
    %exp3A = math.exp %add3A_55 : vector<2000x1xf32>
    %get3A_56 = arith.constant 0 : index
    %get3A_57 = arith.constant 0 : index
    %get3A_58 = vector.load %arg12[%get3A_56, %get3A_57] : memref<64x128xf32, #tpu.memory_space<vmem>>, vector<64x128xf32>
    %dot_general3A_59 = arith.constant dense<0.000000e+00> : vector<2000x128xf32>
    %dot_general3A_60 = tpu.matmul %max3A_32, %get3A_58, %dot_general3A_59 {dimension_numbers = #tpu.dot_dimension_numbers<[1], [0], [0], [1], [0, 0, 1, 1], [], []>, transpose_lhs_hint = false} : vector<2000x64xf32>, vector<64x128xf32>, vector<2000x128xf32> -> vector<2000x128xf32>
    %get3A_61 = arith.constant 0 : index
    %get3A_62 = arith.constant 0 : index
    %get3A_63 = vector.load %arg13[%get3A_61, %get3A_62] : memref<1x128xf32, #tpu.memory_space<vmem>>, vector<1x128xf32>
    %add3A_64 = vector.broadcast %get3A_63 : vector<1x128xf32> to vector<2000x128xf32>
    %add3A_65 = arith.addf %dot_general3A_60, %add3A_64 : vector<2000x128xf32>
    %max3A_66 = arith.constant 0.000000e+00 : f32
    %max3A_67 = vector.broadcast %max3A_66 : f32 to vector<2000x128xf32>
    %max3A_68 = arith.maximumf %add3A_65, %max3A_67 : vector<2000x128xf32>
    %get3A_69 = arith.constant 0 : index
    %get3A_70 = arith.constant 0 : index
    %get3A_71 = vector.load %arg14[%get3A_69, %get3A_70] : memref<128x64xf32, #tpu.memory_space<vmem>>, vector<128x64xf32>
    %dot_general3A_72 = arith.constant dense<0.000000e+00> : vector<2000x64xf32>
    %dot_general3A_73 = tpu.matmul %max3A_68, %get3A_71, %dot_general3A_72 {dimension_numbers = #tpu.dot_dimension_numbers<[1], [0], [0], [1], [0, 0, 1, 1], [], []>, transpose_lhs_hint = false} : vector<2000x128xf32>, vector<128x64xf32>, vector<2000x64xf32> -> vector<2000x64xf32>
    %get3A_74 = arith.constant 0 : index
    %get3A_75 = arith.constant 0 : index
    %get3A_76 = vector.load %arg15[%get3A_74, %get3A_75] : memref<1x64xf32, #tpu.memory_space<vmem>>, vector<1x64xf32>
    %add3A_77 = vector.broadcast %get3A_76 : vector<1x64xf32> to vector<2000x64xf32>
    %add3A_78 = arith.addf %dot_general3A_73, %add3A_77 : vector<2000x64xf32>
    %max3A_79 = arith.constant 0.000000e+00 : f32
    %max3A_80 = vector.broadcast %max3A_79 : f32 to vector<2000x64xf32>
    %max3A_81 = arith.maximumf %add3A_78, %max3A_80 : vector<2000x64xf32>
    %mul3A_82 = vector.broadcast %exp3A : vector<2000x1xf32> to vector<2000x64xf32>
    %mul3A_83 = arith.mulf %mul3A_82, %max3A_81 : vector<2000x64xf32>
    %swap3A = arith.constant 0 : index
    %swap3A_84 = arith.constant 0 : index
    %swap3A_85 = vector.load %arg16[%swap3A, %swap3A_84] : memref<2000x128xf32, #tpu.memory_space<vmem>>, vector<2000x64xf32>
    tpu.vector_store %arg16[%swap3A, %swap3A_84], %mul3A_83 {strides = array<i32>} : memref<2000x128xf32, #tpu.memory_space<vmem>>, vector<2000x64xf32>,
    %broadcast_in_dim3A_86 = vector.shape_cast %exp3A : vector<2000x1xf32> to vector<2000x1xf32>
    %broadcast_in_dim3A_87 = vector.broadcast %broadcast_in_dim3A_86 : vector<2000x1xf32> to vector<2000x64xf32>
    %swap3A_88 = arith.constant 0 : index
    %swap3A_89 = arith.constant 64 : index
    %swap3A_90 = vector.load %arg16[%swap3A_88, %swap3A_89] : memref<2000x128xf32, #tpu.memory_space<vmem>>, vector<2000x64xf32>
    tpu.vector_store %arg16[%swap3A_88, %swap3A_89], %broadcast_in_dim3A_87 {strides = array<i32>} : memref<2000x128xf32, #tpu.memory_space<vmem>>, vector<2000x64xf32>,
    return
  }
  func.func @transform_0(%arg0: i32) -> (i32, i32) {
    %c0_i32 = arith.constant 0 : i32
    %c0_i32_0 = arith.constant 0 : i32
    return %arg0, %c0_i32 : i32, i32
  }
  func.func @transform_1(%arg0: i32) -> (i32, i32) {
    %c0_i32 = arith.constant 0 : i32
    %c0_i32_0 = arith.constant 0 : i32
    return %arg0, %c0_i32 : i32, i32
  }
  func.func @transform_2(%arg0: i32) -> (i32, i32) {
    %c0_i32 = arith.constant 0 : i32
    %c0_i32_0 = arith.constant 0 : i32
    return %arg0, %c0_i32 : i32, i32
  }
  func.func @transform_3(%arg0: i32) -> (i32, i32) {
    %c0_i32 = arith.constant 0 : i32
    %c0_i32_0 = arith.constant 0 : i32
    %c0_i32_1 = arith.constant 0 : i32
    return %c0_i32, %c0_i32_0 : i32, i32
  }
  func.func @transform_4(%arg0: i32) -> (i32, i32) {
    %c0_i32 = arith.constant 0 : i32
    %c0_i32_0 = arith.constant 0 : i32
    %c0_i32_1 = arith.constant 0 : i32
    return %c0_i32, %c0_i32_0 : i32, i32
  }
  func.func @transform_5(%arg0: i32) -> (i32, i32) {
    %c0_i32 = arith.constant 0 : i32
    %c0_i32_0 = arith.constant 0 : i32
    %c0_i32_1 = arith.constant 0 : i32
    return %c0_i32, %c0_i32_0 : i32, i32
  }
  func.func @transform_6(%arg0: i32) -> (i32, i32) {
    %c0_i32 = arith.constant 0 : i32
    %c0_i32_0 = arith.constant 0 : i32
    %c0_i32_1 = arith.constant 0 : i32
    return %c0_i32, %c0_i32_0 : i32, i32
  }
  func.func @transform_7(%arg0: i32) -> (i32, i32) {
    %c0_i32 = arith.constant 0 : i32
    %c0_i32_0 = arith.constant 0 : i32
    %c0_i32_1 = arith.constant 0 : i32
    return %c0_i32, %c0_i32_0 : i32, i32
  }
  func.func @transform_8(%arg0: i32) -> (i32, i32) {
    %c0_i32 = arith.constant 0 : i32
    %c0_i32_0 = arith.constant 0 : i32
    %c0_i32_1 = arith.constant 0 : i32
    return %c0_i32, %c0_i32_0 : i32, i32
  }
  func.func @transform_9(%arg0: i32) -> (i32, i32) {
    %c0_i32 = arith.constant 0 : i32
    %c0_i32_0 = arith.constant 0 : i32
    %c0_i32_1 = arith.constant 0 : i32
    return %c0_i32, %c0_i32_0 : i32, i32
  }
  func.func @transform_10(%arg0: i32) -> (i32, i32) {
    %c0_i32 = arith.constant 0 : i32
    %c0_i32_0 = arith.constant 0 : i32
    %c0_i32_1 = arith.constant 0 : i32
    return %c0_i32, %c0_i32_0 : i32, i32
  }
  func.func @transform_11(%arg0: i32) -> (i32, i32) {
    %c0_i32 = arith.constant 0 : i32
    %c0_i32_0 = arith.constant 0 : i32
    %c0_i32_1 = arith.constant 0 : i32
    return %c0_i32, %c0_i32_0 : i32, i32
  }
  func.func @transform_12(%arg0: i32) -> (i32, i32) {
    %c0_i32 = arith.constant 0 : i32
    %c0_i32_0 = arith.constant 0 : i32
    %c0_i32_1 = arith.constant 0 : i32
    return %c0_i32, %c0_i32_0 : i32, i32
  }
  func.func @transform_13(%arg0: i32) -> (i32, i32) {
    %c0_i32 = arith.constant 0 : i32
    %c0_i32_0 = arith.constant 0 : i32
    %c0_i32_1 = arith.constant 0 : i32
    return %c0_i32, %c0_i32_0 : i32, i32
  }
  func.func @transform_14(%arg0: i32) -> (i32, i32) {
    %c0_i32 = arith.constant 0 : i32
    %c0_i32_0 = arith.constant 0 : i32
    %c0_i32_1 = arith.constant 0 : i32
    return %c0_i32, %c0_i32_0 : i32, i32
  }
  func.func @transform_15(%arg0: i32) -> (i32, i32) {
    %c0_i32 = arith.constant 0 : i32
    %c0_i32_0 = arith.constant 0 : i32
    return %arg0, %c0_i32 : i32, i32
  }
}

module attributes {stable_mosaic.version = 14 : i64} {
  func.func @_k4_body(%arg0: i32, %arg1: memref<1x1xi32, #tpu.memory_space<smem>>, %arg2: memref<400x128xf32, #tpu.memory_space<vmem>>, %arg3: memref<400x128xf32, #tpu.memory_space<vmem>>, %arg4: memref<64x128xf32, #tpu.memory_space<vmem>>, %arg5: memref<1x128xf32, #tpu.memory_space<vmem>>, %arg6: memref<128x128xf32, #tpu.memory_space<vmem>>, %arg7: memref<1x128xf32, #tpu.memory_space<vmem>>, %arg8: memref<400x128xf32, #tpu.memory_space<vmem>>) attributes {dimension_semantics = [#tpu.dimension_semantics<arbitrary>], iteration_bounds = array<i64: 25>, scalar_prefetch = 0 : i64, scratch_operands = 0 : i64, tpu.core_type = #tpu.core_type<tc>, window_params = [{transform_indices = @transform_0, window_bounds = array<i64: 1, 1>}, {transform_indices = @transform_1, window_bounds = array<i64: 400, 128>}, {transform_indices = @transform_2, window_bounds = array<i64: 400, 128>}, {pipeline_mode = #tpu.pipeline_mode<synchronous>, transform_indices = @transform_3, window_bounds = array<i64: 64, 128>}, {pipeline_mode = #tpu.pipeline_mode<synchronous>, transform_indices = @transform_4, window_bounds = array<i64: 1, 128>}, {pipeline_mode = #tpu.pipeline_mode<synchronous>, transform_indices = @transform_5, window_bounds = array<i64: 128, 128>}, {pipeline_mode = #tpu.pipeline_mode<synchronous>, transform_indices = @transform_6, window_bounds = array<i64: 1, 128>}, {transform_indices = @transform_7, window_bounds = array<i64: 400, 128>}]} {
    %get3A = arith.constant 0 : index
    %get3A_0 = arith.constant 0 : index
    %get3A_1 = vector.load %arg2[%get3A, %get3A_0] : memref<400x128xf32, #tpu.memory_space<vmem>>, vector<400x64xf32>
    %get3A_2 = arith.constant 0 : index
    %get3A_3 = arith.constant 0 : index
    %get3A_4 = vector.load %arg3[%get3A_2, %get3A_3] : memref<400x128xf32, #tpu.memory_space<vmem>>, vector<400x64xf32>
    %add3A = arith.addf %get3A_1, %get3A_4 : vector<400x64xf32>
    %get3A_5 = arith.constant 0 : index
    %get3A_6 = arith.constant 64 : index
    %get3A_7 = vector.load %arg2[%get3A_5, %get3A_6] : memref<400x128xf32, #tpu.memory_space<vmem>>, vector<400x1xf32>
    %get3A_8 = arith.constant 0 : index
    %get3A_9 = arith.constant 64 : index
    %get3A_10 = vector.load %arg3[%get3A_8, %get3A_9] : memref<400x128xf32, #tpu.memory_space<vmem>>, vector<400x1xf32>
    %add3A_11 = arith.addf %get3A_7, %get3A_10 : vector<400x1xf32>
    %add3A_12 = arith.constant 9.99999996E-13 : f32
    %add3A_13 = vector.broadcast %add3A_12 : f32 to vector<400x1xf32>
    %add3A_14 = arith.addf %add3A_11, %add3A_13 : vector<400x1xf32>
    %div3A = vector.broadcast %add3A_14 : vector<400x1xf32> to vector<400x64xf32>
    %div3A_15 = arith.divf %add3A, %div3A : vector<400x64xf32>
    %mul3A = arith.constant 400 : i32
    %mul3A_16 = arith.muli %arg0, %mul3A : i32
    %iota3A = tpu.iota {dimensions = array<i32: 0>} : vector<400x1xi32>
    %add3A_17 = vector.broadcast %mul3A_16 : i32 to vector<400x1xi32>
    %add3A_18 = arith.addi %add3A_17, %iota3A : vector<400x1xi32>
    %get3A_19 = arith.constant 0 : index
    %get3A_20 = arith.constant 0 : index
    %get3A_21 = memref.load %arg1[%get3A_19, %get3A_20] : memref<1x1xi32, #tpu.memory_space<smem>>
    %lt3A = vector.broadcast %get3A_21 : i32 to vector<400x1xi32>
    %lt3A_22 = arith.cmpi slt, %add3A_18, %lt3A : vector<400x1xi32>
    %jit3A = arith.constant 0.000000e+00 : f32
    %broadcast_in_dim3A = vector.shape_cast %lt3A_22 : vector<400x1xi1> to vector<400x1xi1>
    %broadcast_in_dim3A_23 = vector.broadcast %broadcast_in_dim3A : vector<400x1xi1> to vector<400x64xi1>
    %broadcast_in_dim3A_24 = vector.broadcast %jit3A : f32 to vector<400x64xf32>
    %select_n3A = arith.select %broadcast_in_dim3A_23, %div3A_15, %broadcast_in_dim3A_24 : vector<400x64xi1>, vector<400x64xf32>
    %get3A_25 = arith.constant 0 : index
    %get3A_26 = arith.constant 0 : index
    %get3A_27 = vector.load %arg4[%get3A_25, %get3A_26] : memref<64x128xf32, #tpu.memory_space<vmem>>, vector<64x128xf32>
    %dot_general3A = arith.constant dense<0.000000e+00> : vector<400x128xf32>
    %dot_general3A_28 = tpu.matmul %select_n3A, %get3A_27, %dot_general3A {dimension_numbers = #tpu.dot_dimension_numbers<[1], [0], [0], [1], [0, 0, 1, 1], [], []>, transpose_lhs_hint = false} : vector<400x64xf32>, vector<64x128xf32>, vector<400x128xf32> -> vector<400x128xf32>
    %get3A_29 = arith.constant 0 : index
    %get3A_30 = arith.constant 0 : index
    %get3A_31 = vector.load %arg5[%get3A_29, %get3A_30] : memref<1x128xf32, #tpu.memory_space<vmem>>, vector<1x128xf32>
    %add3A_32 = vector.broadcast %get3A_31 : vector<1x128xf32> to vector<400x128xf32>
    %add3A_33 = arith.addf %dot_general3A_28, %add3A_32 : vector<400x128xf32>
    %max3A = arith.constant 0.000000e+00 : f32
    %max3A_34 = vector.broadcast %max3A : f32 to vector<400x128xf32>
    %max3A_35 = arith.maximumf %add3A_33, %max3A_34 : vector<400x128xf32>
    %get3A_36 = arith.constant 0 : index
    %get3A_37 = arith.constant 0 : index
    %get3A_38 = vector.load %arg6[%get3A_36, %get3A_37] : memref<128x128xf32, #tpu.memory_space<vmem>>, vector<128x128xf32>
    %dot_general3A_39 = arith.constant dense<0.000000e+00> : vector<400x128xf32>
    %dot_general3A_40 = tpu.matmul %max3A_35, %get3A_38, %dot_general3A_39 {dimension_numbers = #tpu.dot_dimension_numbers<[1], [0], [0], [1], [0, 0, 1, 1], [], []>, transpose_lhs_hint = false} : vector<400x128xf32>, vector<128x128xf32>, vector<400x128xf32> -> vector<400x128xf32>
    %get3A_41 = arith.constant 0 : index
    %get3A_42 = arith.constant 0 : index
    %get3A_43 = vector.load %arg7[%get3A_41, %get3A_42] : memref<1x128xf32, #tpu.memory_space<vmem>>, vector<1x128xf32>
    %add3A_44 = vector.broadcast %get3A_43 : vector<1x128xf32> to vector<400x128xf32>
    %add3A_45 = arith.addf %dot_general3A_40, %add3A_44 : vector<400x128xf32>
    %swap3A = arith.constant 0 : index
    %swap3A_46 = arith.constant 0 : index
    %swap3A_47 = vector.load %arg8[%swap3A, %swap3A_46] : memref<400x128xf32, #tpu.memory_space<vmem>>, vector<400x128xf32>
    tpu.vector_store %arg8[%swap3A, %swap3A_46], %add3A_45 {strides = array<i32>} : memref<400x128xf32, #tpu.memory_space<vmem>>, vector<400x128xf32>,
    return
  }
  func.func @transform_0(%arg0: i32) -> (i32, i32) {
    %c0_i32 = arith.constant 0 : i32
    %c0_i32_0 = arith.constant 0 : i32
    %c0_i32_1 = arith.constant 0 : i32
    return %c0_i32, %c0_i32_0 : i32, i32
  }
  func.func @transform_1(%arg0: i32) -> (i32, i32) {
    %c0_i32 = arith.constant 0 : i32
    %c0_i32_0 = arith.constant 0 : i32
    return %arg0, %c0_i32 : i32, i32
  }
  func.func @transform_2(%arg0: i32) -> (i32, i32) {
    %c0_i32 = arith.constant 0 : i32
    %c0_i32_0 = arith.constant 0 : i32
    return %arg0, %c0_i32 : i32, i32
  }
  func.func @transform_3(%arg0: i32) -> (i32, i32) {
    %c0_i32 = arith.constant 0 : i32
    %c0_i32_0 = arith.constant 0 : i32
    %c0_i32_1 = arith.constant 0 : i32
    return %c0_i32, %c0_i32_0 : i32, i32
  }
  func.func @transform_4(%arg0: i32) -> (i32, i32) {
    %c0_i32 = arith.constant 0 : i32
    %c0_i32_0 = arith.constant 0 : i32
    %c0_i32_1 = arith.constant 0 : i32
    return %c0_i32, %c0_i32_0 : i32, i32
  }
  func.func @transform_5(%arg0: i32) -> (i32, i32) {
    %c0_i32 = arith.constant 0 : i32
    %c0_i32_0 = arith.constant 0 : i32
    %c0_i32_1 = arith.constant 0 : i32
    return %c0_i32, %c0_i32_0 : i32, i32
  }
  func.func @transform_6(%arg0: i32) -> (i32, i32) {
    %c0_i32 = arith.constant 0 : i32
    %c0_i32_0 = arith.constant 0 : i32
    %c0_i32_1 = arith.constant 0 : i32
    return %c0_i32, %c0_i32_0 : i32, i32
  }
  func.func @transform_7(%arg0: i32) -> (i32, i32) {
    %c0_i32 = arith.constant 0 : i32
    %c0_i32_0 = arith.constant 0 : i32
    return %arg0, %c0_i32 : i32, i32
  }
}

</mosaic_0001>

<sc_bundles>
// kernel: kernel.10.cloned.1.call-start
scs
__scs_entry_jumppad:
0x0: {  	(pc) =	sbr.rel $0x88, $3  }
0x1: {  	(tag) =	ssettag $0x0;
	lr =	simm.s32 $0x1  }
0x2: {  	[smem:$0x3F8C] =	sst lr;
	_ =	strace $0xD0000000  }
0x3: {  	_ = 	snop  }
0x4: {  	_ = 	snop  }
0x5: {  	_ = 	snop  }
0x6: {  	_ = 	snop  }
0x7: {  	_ = 	snop  }
__scs_overlays_trampoline_lowered:
0x8: {  	[smem:$0x3F9B] =	sst s0  }
0x9: {  	[smem:$0x3F9C] =	sst s1  }
0xa: {  	[smem:$0x3F9D] =	sst s2  }
0xb: {  	[smem:$0x3F9E] =	sst s3  }
0xc: {  	[smem:$0x3F9F] =	sst s4  }
0xd: {  	[smem:$0x3FA0] =	sst s5  }
0xe: {  	[smem:$0x3FA1] =	sst s6  }
0xf: {  	[smem:$0x3FA2] =	sst s7  }
0x10: {  	[smem:$0x3FA3] =	sst s8  }
0x11: {  	[smem:$0x3FA4] =	sst s9;
	s0 =	simm.s32 @!p0 $0x0  }
0x12: {  	s1 =	sld [smem:$0x3F8A];
	s0 =	simm.s32 @p0 $0x1  }
0x13: {  	[smem:$0x3FA5] =	sst s0;
	s0 =	simm.s32 @!p1 $0x0  }
0x14: {  	s2 =	sld [smem:$0x3F89];
	s0 =	simm.s32 @p1 $0x1  }
0x15: {  	[smem:$0x3FA6] =	sst s0;
	s0 =	simm.s32 @!p2 $0x0  }
0x16: {  	s3 =	sld [smem:$0x3FDB];
	s0 =	simm.s32 @p2 $0x1  }
0x17: {  	s4 =	simm.s32 $0x1BF5;
	[smem:$0x3FA8] =	sst s0  }
0x18: {  	s0 =	sld [smem:$0x3F8B];
	_ =	swait.ge [sflag:s4], $0x0  }
0x19: {  	s7 =	sld [smem:$0x3F8C]  }
0x1a: {  	s8 =	sadd.s32 $0xFFFFE003, lr  }
0x1b: {  	s9 =	sadd.s32 $0xFFFFFEF7, lr;
	s5 =	simm.s32 $0xFFFFFFFF;
	p2 =	slt.u32 s8, $0xFFFFF086  }
0x1c: {  	p1 =	slt.u32 s9, $0xF7A;
	s5 =	simm.s32 @!p2 $0x0  }
0x1d: {  	s5 =	simm.s32 @p1 $0x1;
	p0 =	seq.s32 s7, s2  }
0x1e: {  	s7 =	smul.u32 @!p0 $0xF7A, s2;
	p2 =	seq.s32 @!p0 s5, $0x0  }
0x1f: {  	s9 =	smul.u32 $0xF7A, s1;
	s8 =	simm.s32 @!p0 $0x1BF5;
	p2 =	por !p2, p0  }
0x20: {  	[sflag:s8] =	ssyncset.s32 @!p0 $0xFFFFF086;
	s6 =	sadd.s32 @!p0 s3, s7;
	s7 =	simm.s32 @!p0 $0x108  }
0x21: {  	s3 =	sadd.s32 s3, s9;
	s6 =	sadd.s32 @!p0 $0x88, s6;
	s7 =	simm.s32 @p2 $0x1082  }
0x22: {  	[simem:s7], [sflag:s8] =	dma.local @!p0 [hbm:s6], $0xF7A  }
0x23: {  	s9 =	sor.u32 $0xD0000000, s2;
	s6 =	simm.s32 $0x108;
	_ =	swait.ge @!p0 [sflag:s8], $0x0  }
0x24: {  	s3 =	sadd.s32 $0x88, s3;
	s6 =	simm.s32 @!p1 $0x1082;
	[sflag:s4] =	ssyncset.s32 $0xFFFFF086  }
0x25: {  	[simem:s6], [sflag:s4] =	dma.local [hbm:s3], $0xF7A  }
0x26: {  	[smem:$0x3F8C] =	sst s1;
	(tag) =	ssettag s2;
	_ =	strace s9  }
0x27: {  	s1 =	sld [smem:$0x3F9C]  }
0x28: {  	s2 =	sld [smem:$0x3F9D]  }
0x29: {  	s4 =	sld [smem:$0x3F9F]  }
0x2a: {  	p0 =	seq.s32 s5, $0x0;
	s5 =	sld [smem:$0x3FA0]  }
0x2b: {  	s6 =	sld [smem:$0x3FA1]  }
0x2c: {  	s7 =	sld [smem:$0x3FA2]  }
0x2d: {  	s3 =	simm.s32 $0x108;
	s8 =	sld [smem:$0x3FA3]  }
0x2e: {  	s3 =	simm.s32 @!p0 $0x1082;
	s9 =	sld [smem:$0x3FA4]  }
0x2f: {  	lr =	sadd.s32 s0, s3;
	s0 =	sld [smem:$0x3F9B]  }
0x30: {  	s3 =	sld [smem:$0x3F9E]  }
0x31: {  	[smem:$0x3FA7] =	sst s10  }
0x32: {  	s10 =	sld [smem:$0x3FA5];
	_ =	sdelay $0x3  }
0x33: {  	p0 =	seq.s32 s10, $0x1;
	s10 =	sld [smem:$0x3FA7];
	_ =	sdelay $0x3  }
0x34: {  	[smem:$0x3FA7] =	sst s10  }
0x35: {  	s10 =	sld [smem:$0x3FA6];
	_ =	sdelay $0x3  }
0x36: {  	p1 =	seq.s32 s10, $0x1;
	s10 =	sld [smem:$0x3FA7];
	_ =	sdelay $0x3  }
0x37: {  	[smem:$0x3FA7] =	sst s10  }
0x38: {  	s10 =	sld [smem:$0x3FA8]  }
0x39: {  	_ = 	snop;
	(pc) =	sbr.ind lr, $3  }
0x3a: {  	_ = 	snop  }
0x3b: {  	_ = 	snop  }
0x3c: {  	p2 =	seq.s32 s10, $0x1;
	s10 =	sld [smem:$0x3FA7]  }
0x3d: {  	_ =	shalt  }
0x3e: {  	_ =	shalt  }
0x3f: {  	_ =	shalt  }
0x40: {  	_ =	shalt  }
0x41: {  	_ =	shalt  }
0x42: {  	_ =	shalt  }
0x43: {  	_ =	shalt  }
0x44: {  	_ =	shalt  }
0x45: {  	_ =	shalt  }
0x46: {  	_ =	shalt  }
0x47: {  	_ =	shalt  }
0x48: {  	_ =	shalt  }
0x49: {  	_ =	shalt  }
0x4a: {  	_ =	shalt  }
0x4b: {  	_ =	shalt  }
0x4c: {  	_ =	shalt  }
0x4d: {  	_ =	shalt  }
0x4e: {  	_ =	shalt  }
0x4f: {  	_ =	shalt  }
0x50: {  	_ =	shalt  }
0x51: {  	_ =	shalt  }
0x52: {  	_ =	shalt  }
0x53: {  	_ =	shalt  }
0x54: {  	_ =	shalt  }
0x55: {  	_ =	shalt  }
0x56: {  	_ =	shalt  }
0x57: {  	_ =	shalt  }
0x58: {  	_ =	shalt  }
0x59: {  	_ =	shalt  }
0x5a: {  	_ =	shalt  }
0x5b: {  	_ =	shalt  }
0x5c: {  	_ =	shalt  }
0x5d: {  	_ =	shalt  }
0x5e: {  	_ =	shalt  }
0x5f: {  	_ =	shalt  }
0x60: {  	_ =	shalt  }
0x61: {  	_ =	shalt  }
0x62: {  	_ =	shalt  }
0x63: {  	_ =	shalt  }
0x64: {  	_ =	shalt  }
0x65: {  	_ =	shalt  }
0x66: {  	_ =	shalt  }
0x67: {  	_ =	shalt  }
0x68: {  	_ =	shalt  }
0x69: {  	_ =	shalt  }
0x6a: {  	_ =	shalt  }
0x6b: {  	_ =	shalt  }
0x6c: {  	_ =	shalt  }
0x6d: {  	_ =	shalt  }
0x6e: {  	_ =	shalt  }
0x6f: {  	_ =	shalt  }
0x70: {  	_ =	shalt  }
0x71: {  	_ =	shalt  }
0x72: {  	_ =	shalt  }
0x73: {  	_ =	shalt  }
0x74: {  	_ =	shalt  }
0x75: {  	_ =	shalt  }
0x76: {  	_ =	shalt  }
0x77: {  	_ =	shalt  }
0x78: {  	_ =	shalt  }
0x79: {  	_ =	shalt  }
0x7a: {  	_ =	shalt  }
0x7b: {  	_ =	shalt  }
0x7c: {  	_ =	shalt  }
0x7d: {  	_ =	shalt  }
0x7e: {  	_ =	shalt  }
0x7f: {  	_ =	shalt  }
0x80: {  	_ =	shalt  }
0x81: {  	_ =	shalt  }
0x82: {  	_ =	shalt  }
0x83: {  	_ =	shalt  }
0x84: {  	_ =	shalt  }
0x85: {  	_ =	shalt  }
0x86: {  	_ =	shalt  }
0x87: {  	_ =	shalt  }
.Lfunc_end0:
.L_simem_size_0:
called_computation.1_lowered:
.L_overlay_start_0:
0x88: {  	s2 =	sld [smem:$0x3FD9]  }
0x89: {  	s3 =	sld [smem:$0x3FFE];
	_ =	sdelay $0x1  }
0x8a: {  	s1 =	srdreg.scid  }
0x8b: {  	s0 =	sand.u32 $0x1, s1  }
0x8c: {  	s16 =	sshll.u32 s0, $0xA;
	s2 =	sadd.s32 s3, s2  }
0x8d: {  	s2 =	sadd.s32 s2, s16  }
0x8e: {  	[smem:$0x3FB3] =	sst s2  }
0x8f: {  	_ = 	snop  }
0x90: {  	(tm) =	ssettm $0x1  }
0x91: {  	s17 =	sld [smem:$0x3FFB];
	_ =	sdelay $0x3  }
0x92: {  	_ =	strace s17  }
0x93: {  	s2 =	sld [smem:$0x3FFC];
	_ =	sdelay $0x3  }
0x94: {  	_ =	strace s2  }
0x95: {  	s2 =	sld [smem:$0x3FFD];
	_ =	sdelay $0x3  }
0x96: {  	_ =	strace s2  }
0x97: {  	_ =	strace $0x8FFFFFFF  }
0x98: {  	s18 =	sld [smem:$0x3FDB];
	_ =	sdelay $0x1  }
0x99: {  	s19 =	simm.s32 $_scs_section_size  }
0x9a: {  	s4 =	simm.s32 $_size__tile_overlayer_lowered;
	s5 =	simm.s32 $_tile_overlayer_lowered  }
0x9b: {  	s22 =	simm.s32 $0x1BFF;
	s21 =	sshll.u32 s5, $0x1;
	s2 =	sadd.s32 s19, s18  }
0x9c: {  	s6 =	simm.s32 $0x0;
	s20 =	sshll.u32 s4, $0x1;
	s4 =	sadd.s32 s21, s2  }
0x9d: {  	[timem:s6], [sflag:s22] =	dma.local [hbm:s4], s20  }
0x9e: {  	_ =	swait.ge [sflag:s22], s20  }
0x9f: {  	s3 =	ssub.s32 $0x0, s20;
	[sflag:s22] =	ssyncset.done $0x0  }
0xa0: {  	[sflag:s22] =	ssyncadd.s32 s3;
	_ =	sdelay $0x1  }
0xa1: {  	s23 =	simm.s32 $0x1B8B  }
0xa2: {  	_ =	swait.ge [sflag:s23], $0x1  }
0xa3: {  	[sflag:s23] =	ssyncset.done $0x0  }
0xa4: {  	s25 =	simm.s32 $0x1B8E;
	s24 =	sld [smem:$0x3FFE];
	[sflag:s23] =	ssyncadd.s32 $0xFFFFFFFF  }
0xa5: {  	s26 =	simm.s32 $execute0_lowered;
	[smem:$0x3FD2] =	sst s25  }
0xa6: {  	s4 =	sshll.u32 s26, $0x1;
	_ =	strace $0x80000049;
	[dreg:$0x1] =	wrdreg $0xFFFFFFFF  }
0xa7: {  	s28 =	simm.s32 $_size_execute0_lowered;
	s2 =	sadd.s32 s2, s4;
	[dreg:$0x0] =	wrdreg $0x0  }
0xa8: {  	s4 =	sshll.u32 s28, $0x1;
	[dreg:$0x2] =	wrdreg s2  }
0xa9: {  	[dreg:$0x3] =	wrdreg s4  }
0xaa: {  	[dreg:$0x4] =	wrdreg $0xC0  }
0xab: {  	_ =	task [dreg:s6], $0x5FFFF  }
0xac: {  	[dreg:$0x1] =	wrdreg $0xFFFFFFFF  }
0xad: {  	[dreg:$0x0] =	wrdreg $0x60  }
0xae: {  	[dreg:$0x2] =	wrdreg s24  }
0xaf: {  	[dreg:$0x3] =	wrdreg $0x90000  }
0xb0: {  	[dreg:$0x4] =	wrdreg $0x9  }
0xb1: {  	_ =	task.clear_ibuf [dreg:s6], $0x5FFFF;
	_ =	strace $0x90000049  }
0xb2: {  	s29 =	simm.s32 $0x9;
	_ =	strace $0x8000004B  }
0xb3: {  	_ =	swait.ge [sflag:s29], $0x1  }
0xb4: {  	[sflag:s29] =	ssyncadd.s32 $0xFFFFFFFF  }
0xb5: {  	_ =	strace $0x9000004B  }
0xb6: {  	_ =	sfence  }
0xb7: {  	s30 =	sld [smem:$0x0];
	_ =	sdelay $0x2  }
0xb8: {  	s31 =	sshll.u32 s1, $0xD;
	s1 =	sshrl.u32 s1, $0x2  }
0xb9: {  	s3 =	sand.u32 $0x4000, s31;
	s1 =	sadd.s32 s1, s30  }
0xba: {  	s0 =	sor.u32 s3, s0;
	s1 =	sshll.u32 s1, $0x11  }
0xbb: {  	s0 =	sor.u32 s1, s0  }
0xbc: {  	s0 =	sadd.s32 $0x8F2B, s0  }
0xbd: {  	[sflag:s0] =	ssyncadd.remote.s32 $0x1  }
0xbe: {  	_ =	sfence.sel $0xFFFF  }
0xbf: {  	[dreg:$0x0] =	wrdreg $0xFFFFFFFF;
	(pc) =	sbr.abs _section_cstart, $3  }
0xc0: {  	[dreg:$0x1] =	wrdreg $0xFFFFFFFF  }
0xc1: {  	_ =	task.clear_ibuf [dreg:s6], $0x2FFFF;
	_ =	strace $0x9FFFFFFF  }
0xc2: {  	(tm) =	ssettm $0x7FFFFFFF  }
0xc3: {  	_ =	shalt  }
tec
execute0_lowered:
.L_overlay_start_1:
0x0: {  	(tag) =	ssettag $0x1  }
0x1: {  	s5 =	rddreg [dreg:$0x0]  }
0x2: {  	s2 =	rddreg [dreg:$0x1]  }
0x3: {  	s0 =	rddreg [dreg:$0x2];
	s4 =	srdreg.scid;
	s3 =	simm.s32 $0x0  }
0x4: {  	s1 =	stileid.u32;
	s18 =	simm.s32 $0x5;
	s19 =	simm.s32 $0x4000  }
0x5: {  	s20 =	simm.s32 $0x50;
	s21 =	simm.s32 $0x3;
	s22 =	simm.s32 $0x0  }
0x6: {  	s6 =	sand.u32 $0x1, s4;
	[smem:$0x7FF] =	sst s3;
	s8 =	smul.u32 $0x14000, s1  }
0x7: {  	s30 =	sshll.u32 s1, $0x1;
	s4 =	sadd.s32 $0xEF1C00, s5;
	s10 =	smul.u32 $0x50000, s1  }
0x8: {  	s7 =	smul.u32 $0x140000, s6;
	s11 =	sor.u32 s6, s30;
	s6 =	ssub.s32 $0x2, s6  }
0x9: {  	_ =	strace $0x8000004A;
	s9 =	sshll.u32 s11, $0xB;
	s31 =	sshrl.u32 s6, $0x1  }
0xa: {  	s10 =	sshrl.u32 s10, $0x2;
	s15 =	smul.u32 $0x27100, s11;
	s9 =	sadd.s32 s9, s5  }
0xb: {  	s7 =	sadd.s32 s8, s7;
	s17 =	ssub.s32 s6, s31;
	s6 =	smul.u32 $0x2710, s11  }
.Ltmp0:
0xc: {  	s7 =	sshrl.u32 s7, $0x3;
	s15 =	sadd.s32 s4, s15;
	(pc) =	sbr.rel .LBB2_1-.Ltmp0, $4  }
0xd: {  	s17 =	smax.u32 s17, $0x1;
	s16 =	sadd.s32 s7, s5;
	s5 =	sadd.s32 s10, s2  }
0xe: {  	s7 =	sadd.s32 $0x4800, s9;
	s8 =	sadd.s32 $0x2800, s5;
	s9 =	sadd.s32 $0x5000, s5  }
0xf: {  	s10 =	sadd.s32 $0x7800, s5;
	s11 =	sadd.s32 $0xA000, s5;
	s12 =	sadd.s32 $0xC800, s5  }
0x10: {  	v0 =	vimm.f32 $0.0e+00;
	s13 =	sadd.s32 $0xF000, s5;
	s14 =	sadd.s32 $0x11800, s5;
	s16 =	sadd.s32 $0x14800, s16  }
.LBB2_7:
0x11: {  	_ =	swait.ge [sflag:s21], $0x2800  }
0x12: {  	s23 =	sshll.u32 s1, $0x6;
	s22 =	sadd.s32 $0x1, s22;
	[sflag:s21] =	ssyncset.done $0x0  }
0x13: {  	s24 =	sshrl.u32 s5, $0x3;
	p0 =	sne.s32 s22, s17;
	[sflag:s21] =	ssyncadd.s32 $0xFFFFD800  }
.Ltmp1:
0x14: {  	s23 =	sor.u32 $0x1C05, s23;
	[bflag:$0x0] =	sbarrier.arrive $0xFFFF;
	(pc) =	sbr.rel @!p0 .LBB2_8-.Ltmp1, $4  }
0x15: {  	[hbm:s16], [sflag:s23] =	dma.local [spmem:s24], $0x2800  }
0x16: {  	_ =	swait.ge [sflag:s18], $0x2800  }
0x17: {  	[sflag:s18] =	ssyncset.done $0x0  }
0x18: {  	[sflag:s18] =	ssyncadd.s32 $0xFFFFD800  }
.LBB2_1:
0x19: {  	s23 =	simm.s32 $0x0;
	s24 =	simm.s32 $0x200  }
.LBB2_2:
0x1a: {  	p0 =	sne.s32 s24, $0x9E00;
	[tilespmem:s23+$0x4070] =	vst v0  }
0x1b: {  	[tilespmem:s23+$0x4000] =	vst v0  }
0x1c: {  	[tilespmem:s23+$0x4010] =	vst v0  }
.Ltmp2:
0x1d: {  	[tilespmem:s23+$0x4020] =	vst v0;
	(pc) =	sbr.rel @p0 .LBB2_2-.Ltmp2, $4  }
0x1e: {  	[tilespmem:s23+$0x4030] =	vst v0  }
0x1f: {  	[tilespmem:s23+$0x4040] =	vst v0  }
0x20: {  	[tilespmem:s23+$0x4050] =	vst v0  }
0x21: {  	[tilespmem:s23+$0x4060] =	vst v0;
	s23 =	sshra.s32 s24, $0x2;
	s24 =	sadd.s32 $0x200, s24  }
0x22: {  	[tilespmem:s23+$0x4070] =	vst v0  }
0x23: {  	[tilespmem:s23+$0x4000] =	vst v0  }
0x24: {  	[tilespmem:s23+$0x4010] =	vst v0  }
0x25: {  	[tilespmem:s23+$0x4020] =	vst v0  }
0x26: {  	[tilespmem:s23+$0x4030] =	vst v0  }
0x27: {  	[tilespmem:s23+$0x4040] =	vst v0  }
0x28: {  	[tilespmem:s23+$0x4050] =	vst v0  }
0x29: {  	[tilespmem:s23+$0x4060] =	vst v0;
	s23 =	simm.s32 $0x0  }
0x2a: {  	[tilespmem:s23], [sflag:$0x5] =	stream.linear.gather [hbm4b:s7+s23], $0x3E80, $0x38;
	[tilespmem:$0x1D000] =	vst v63  }
0x2b: {  	_ =	swait.ge [sflag:s18], $0x3E80  }
0x2c: {  	[sflag:s18] =	ssyncset.done $0x0  }
0x2d: {  	[sflag:s18] =	ssyncadd.s32 $0xFFFFC180  }
0x2e: {  	[spmem:s5] =	stream.linear.scatter [tilespmem:s19], [sflag:$0x5], $0x2800, $0x38;
	[tilespmem:$0x1D000] =	vst v63  }
0x2f: {  	_ =	swait.ge [sflag:s18], $0x2800  }
0x30: {  	[sflag:s18] =	ssyncset.done $0x0  }
0x31: {  	[sflag:s18] =	ssyncadd.s32 $0xFFFFD800  }
0x32: {  	[spmem:s8] =	stream.linear.scatter [tilespmem:s19], [sflag:$0x5], $0x2800, $0x38;
	[tilespmem:$0x1D000] =	vst v63  }
0x33: {  	_ =	swait.ge [sflag:s18], $0x2800  }
0x34: {  	[sflag:s18] =	ssyncset.done $0x0  }
0x35: {  	[sflag:s18] =	ssyncadd.s32 $0xFFFFD800  }
0x36: {  	[spmem:s9] =	stream.linear.scatter [tilespmem:s19], [sflag:$0x5], $0x2800, $0x38;
	[tilespmem:$0x1D000] =	vst v63  }
0x37: {  	_ =	swait.ge [sflag:s18], $0x2800  }
0x38: {  	[sflag:s18] =	ssyncset.done $0x0  }
0x39: {  	[sflag:s18] =	ssyncadd.s32 $0xFFFFD800  }
0x3a: {  	[spmem:s10] =	stream.linear.scatter [tilespmem:s19], [sflag:$0x5], $0x2800, $0x38;
	[tilespmem:$0x1D000] =	vst v63  }
0x3b: {  	_ =	swait.ge [sflag:s18], $0x2800  }
0x3c: {  	[sflag:s18] =	ssyncset.done $0x0  }
0x3d: {  	[sflag:s18] =	ssyncadd.s32 $0xFFFFD800  }
0x3e: {  	[spmem:s11] =	stream.linear.scatter [tilespmem:s19], [sflag:$0x5], $0x2800, $0x38;
	[tilespmem:$0x1D000] =	vst v63  }
0x3f: {  	_ =	swait.ge [sflag:s18], $0x2800  }
0x40: {  	[sflag:s18] =	ssyncset.done $0x0  }
0x41: {  	[sflag:s18] =	ssyncadd.s32 $0xFFFFD800  }
0x42: {  	[spmem:s12] =	stream.linear.scatter [tilespmem:s19], [sflag:$0x5], $0x2800, $0x38;
	[tilespmem:$0x1D000] =	vst v63  }
0x43: {  	_ =	swait.ge [sflag:s18], $0x2800  }
0x44: {  	[sflag:s18] =	ssyncset.done $0x0  }
0x45: {  	[sflag:s18] =	ssyncadd.s32 $0xFFFFD800  }
0x46: {  	[spmem:s13] =	stream.linear.scatter [tilespmem:s19], [sflag:$0x5], $0x2800, $0x38;
	[tilespmem:$0x1D000] =	vst v63  }
0x47: {  	_ =	swait.ge [sflag:s18], $0x2800  }
0x48: {  	[sflag:s18] =	ssyncset.done $0x0  }
0x49: {  	[sflag:s18] =	ssyncadd.s32 $0xFFFFD800  }
0x4a: {  	[spmem:s14] =	stream.linear.scatter [tilespmem:s19], [sflag:$0x5], $0x2800, $0x38;
	[tilespmem:$0x1D000] =	vst v63  }
.Ltmp3:
0x4b: {  	_ =	swait.ge [sflag:s18], $0x2800;
	(pc) =	sbr.rel .LBB2_4-.Ltmp3, $4  }
0x4c: {  	[sflag:s18] =	ssyncset.done $0x0  }
0x4d: {  	[sflag:s18] =	ssyncadd.s32 $0xFFFFD800  }
0x4e: {  	[bflag:$0x0] =	sbarrier.arrive $0xFFFF  }
0x4f: {  	[tilespmem:s19], [sflag:$0x1] =	stream.linear.gather [hbm4b:s15+s23], $0x2800, $0x38;
	[tilespmem:$0x1D000] =	vst v63  }
.LBB2_6:
0x50: {  	s26 =	smul.u32 $0xA000, s24;
	s28 =	sadd.s32 $0x1, s24;
	p0 =	slt.u32 s25, $0x7D  }
.Ltmp4:
0x51: {  	s23 =	sshll.u32 s23, $0x7;
	_ =	swait.ge [sflag:s28], $0x2800;
	(pc) =	sbr.rel @!p0 .LBB2_7-.Ltmp4, $4  }
0x52: {  	s31 =	sadd.s32 $0x3, s24;
	s26 =	sshrl.u32 s26, $0x2;
	[sflag:s28] =	ssyncset.done $0x0  }
0x53: {  	s23 =	sand.u32 $0x3FFFFF80, s23;
	s26 =	sor.u32 $0x4000, s26;
	[sflag:s28] =	ssyncadd.s32 $0xFFFFD800  }
0x54: {  	[spmem:s2] =	stream.indirect.scatter.add.f32 [tilespmem:s26], [sflag:s31], $0x80, s23, s20, $0xb8;
	[tilespmem:$0x1D000] =	vst v63  }
0x55: {  	s23 =	smov.u32 s25  }
.LBB2_4:
0x56: {  	p0 =	seq.s32 s23, $0x0  }
0x57: {  	p1 =	seq.s32 @!p0 s23, $0x7C  }
0x58: {  	s24 =	sand.u32 $0x1, s23;
	p1 =	por p0, !p1  }
.Ltmp5:
0x59: {  	s26 =	sxor.u32 $0x1, s24;
	(pc) =	sbr.rel @!p1 .LBB2_6-.Ltmp5, $4  }
0x5a: {  	s25 =	sadd.s32 @!p0 $0x3, s26  }
0x5b: {  	_ =	swait.ge @!p0 [sflag:s25], $0x2800  }
0x5c: {  	[sflag:s25] =	ssyncset.done @!p0 $0x0  }
0x5d: {  	[sflag:s25] =	ssyncadd.s32 @!p0 $0xFFFFD800;
	s25 =	simm.s32 @!p0 $0x7D  }
0x5e: {  	s25 =	sadd.s32 @!p0 $0x1, s23  }
0x5f: {  	s29 =	smul.u32 $0xA000, s26;
	s25 =	simm.s32 @p0 $0x1  }
0x60: {  	s28 =	smul.u32 $0x50, s25  }
.Ltmp6:
0x61: {  	_ = 	snop;
	(pc) =	sbr.rel .LBB2_6-.Ltmp6, $4  }
0x62: {  	s28 =	sadd.s32 s6, s28  }
0x63: {  	s29 =	sshrl.u32 s29, $0x2;
	s28 =	sshll.u32 s28, $0x4  }
0x64: {  	s31 =	sadd.s32 $0x1, s26;
	s29 =	sor.u32 $0x4000, s29;
	s28 =	sadd.s32 s4, s28  }
0x65: {  	[tilespmem:s29], [sflag:s31] =	stream.linear.gather [hbm4b:s28+s3], $0x2800, $0x38;
	[tilespmem:$0x1D000] =	vst v63  }
.LBB2_8:
0x66: {  	_ =	sfence.sel $0x180000  }
0x67: {  	[bflag:$0x0] =	sbarrier.arrive $0xFFFF  }
0x68: {  	p0 =	sne.s32 s1, $0x0;
	_ =	strace $0x9000004A  }
0x69: {  	s0 =	sadd.s32 @!p0 $0x100000, s0;
	[bflag:$0x2] =	sbarrier.arrive $0xFFFF  }
0x6a: {  	[sflag:s0] =	ssyncadd.tile.s32 @!p0 $0x1;
	_ =	shalt  }
.Lfunc_end2:
_tile_overlayer_lowered:
.L_overlay_start_2:
0x6b: {  	(tag) =	ssettag $0x2  }
0x6c: {  	s0 =	rddreg [dreg:$0x0];
	s2 =	stileid.u32  }
0x6d: {  	s1 =	rddreg [dreg:$0x1];
	p0 =	sne.s32 s2, $0x0  }
0x6e: {  	s3 =	rddreg [dreg:$0x2];
	[bflag:$0x3] =	sbarrier.arrive $0xFFFF;
	s2 =	simm.s32 @!p0 $0x1C05  }
0x6f: {  	[timem:s3], [sflag:s2] =	dma.local @!p0 [hbm:s0], s1  }
0x70: {  	s0 =	simm.s32 @!p0 $0x5  }
0x71: {  	_ =	swait.ge @!p0 [sflag:s0], s1  }
0x72: {  	s1 =	ssub.s32 @!p0 $0x0, s1;
	[sflag:s0] =	ssyncset.done @!p0 $0x0  }
0x73: {  	[sflag:s0] =	ssyncadd.s32 @!p0 s1  }
0x74: {  	[bflag:$0x3] =	sbarrier.arrive $0xFFFF  }
0x75: {  	_ =	shalt  }

// kernel: kernel.7.cloned.1.call-start
scs
__scs_entry_jumppad:
0x0: {  	(pc) =	sbr.rel $0x88, $3  }
0x1: {  	(tag) =	ssettag $0x0;
	lr =	simm.s32 $0x1  }
0x2: {  	[smem:$0x3F8C] =	sst lr;
	_ =	strace $0xD0000000  }
0x3: {  	_ = 	snop  }
0x4: {  	_ = 	snop  }
0x5: {  	_ = 	snop  }
0x6: {  	_ = 	snop  }
0x7: {  	_ = 	snop  }
__scs_overlays_trampoline_lowered:
0x8: {  	[smem:$0x3F9B] =	sst s0  }
0x9: {  	[smem:$0x3F9C] =	sst s1  }
0xa: {  	[smem:$0x3F9D] =	sst s2  }
0xb: {  	[smem:$0x3F9E] =	sst s3  }
0xc: {  	[smem:$0x3F9F] =	sst s4  }
0xd: {  	[smem:$0x3FA0] =	sst s5  }
0xe: {  	[smem:$0x3FA1] =	sst s6  }
0xf: {  	[smem:$0x3FA2] =	sst s7  }
0x10: {  	[smem:$0x3FA3] =	sst s8  }
0x11: {  	[smem:$0x3FA4] =	sst s9;
	s0 =	simm.s32 @!p0 $0x0  }
0x12: {  	s1 =	sld [smem:$0x3F8A];
	s0 =	simm.s32 @p0 $0x1  }
0x13: {  	[smem:$0x3FA5] =	sst s0;
	s0 =	simm.s32 @!p1 $0x0  }
0x14: {  	s2 =	sld [smem:$0x3F89];
	s0 =	simm.s32 @p1 $0x1  }
0x15: {  	[smem:$0x3FA6] =	sst s0;
	s0 =	simm.s32 @!p2 $0x0  }
0x16: {  	s3 =	sld [smem:$0x3FDB];
	s0 =	simm.s32 @p2 $0x1  }
0x17: {  	s4 =	simm.s32 $0x1BF5;
	[smem:$0x3FA8] =	sst s0  }
0x18: {  	s0 =	sld [smem:$0x3F8B];
	_ =	swait.ge [sflag:s4], $0x0  }
0x19: {  	s7 =	sld [smem:$0x3F8C]  }
0x1a: {  	s8 =	sadd.s32 $0xFFFFE003, lr  }
0x1b: {  	s9 =	sadd.s32 $0xFFFFFEF7, lr;
	s5 =	simm.s32 $0xFFFFFFFF;
	p2 =	slt.u32 s8, $0xFFFFF086  }
0x1c: {  	p1 =	slt.u32 s9, $0xF7A;
	s5 =	simm.s32 @!p2 $0x0  }
0x1d: {  	s5 =	simm.s32 @p1 $0x1;
	p0 =	seq.s32 s7, s2  }
0x1e: {  	s7 =	smul.u32 @!p0 $0xF7A, s2;
	p2 =	seq.s32 @!p0 s5, $0x0  }
0x1f: {  	s9 =	smul.u32 $0xF7A, s1;
	s8 =	simm.s32 @!p0 $0x1BF5;
	p2 =	por !p2, p0  }
0x20: {  	[sflag:s8] =	ssyncset.s32 @!p0 $0xFFFFF086;
	s6 =	sadd.s32 @!p0 s3, s7;
	s7 =	simm.s32 @!p0 $0x108  }
0x21: {  	s3 =	sadd.s32 s3, s9;
	s6 =	sadd.s32 @!p0 $0x88, s6;
	s7 =	simm.s32 @p2 $0x1082  }
0x22: {  	[simem:s7], [sflag:s8] =	dma.local @!p0 [hbm:s6], $0xF7A  }
0x23: {  	s9 =	sor.u32 $0xD0000000, s2;
	s6 =	simm.s32 $0x108;
	_ =	swait.ge @!p0 [sflag:s8], $0x0  }
0x24: {  	s3 =	sadd.s32 $0x88, s3;
	s6 =	simm.s32 @!p1 $0x1082;
	[sflag:s4] =	ssyncset.s32 $0xFFFFF086  }
0x25: {  	[simem:s6], [sflag:s4] =	dma.local [hbm:s3], $0xF7A  }
0x26: {  	[smem:$0x3F8C] =	sst s1;
	(tag) =	ssettag s2;
	_ =	strace s9  }
0x27: {  	s1 =	sld [smem:$0x3F9C]  }
0x28: {  	s2 =	sld [smem:$0x3F9D]  }
0x29: {  	s4 =	sld [smem:$0x3F9F]  }
0x2a: {  	p0 =	seq.s32 s5, $0x0;
	s5 =	sld [smem:$0x3FA0]  }
0x2b: {  	s6 =	sld [smem:$0x3FA1]  }
0x2c: {  	s7 =	sld [smem:$0x3FA2]  }
0x2d: {  	s3 =	simm.s32 $0x108;
	s8 =	sld [smem:$0x3FA3]  }
0x2e: {  	s3 =	simm.s32 @!p0 $0x1082;
	s9 =	sld [smem:$0x3FA4]  }
0x2f: {  	lr =	sadd.s32 s0, s3;
	s0 =	sld [smem:$0x3F9B]  }
0x30: {  	s3 =	sld [smem:$0x3F9E]  }
0x31: {  	[smem:$0x3FA7] =	sst s10  }
0x32: {  	s10 =	sld [smem:$0x3FA5];
	_ =	sdelay $0x3  }
0x33: {  	p0 =	seq.s32 s10, $0x1;
	s10 =	sld [smem:$0x3FA7];
	_ =	sdelay $0x3  }
0x34: {  	[smem:$0x3FA7] =	sst s10  }
0x35: {  	s10 =	sld [smem:$0x3FA6];
	_ =	sdelay $0x3  }
0x36: {  	p1 =	seq.s32 s10, $0x1;
	s10 =	sld [smem:$0x3FA7];
	_ =	sdelay $0x3  }
0x37: {  	[smem:$0x3FA7] =	sst s10  }
0x38: {  	s10 =	sld [smem:$0x3FA8]  }
0x39: {  	_ = 	snop;
	(pc) =	sbr.ind lr, $3  }
0x3a: {  	_ = 	snop  }
0x3b: {  	_ = 	snop  }
0x3c: {  	p2 =	seq.s32 s10, $0x1;
	s10 =	sld [smem:$0x3FA7]  }
0x3d: {  	_ =	shalt  }
0x3e: {  	_ =	shalt  }
0x3f: {  	_ =	shalt  }
0x40: {  	_ =	shalt  }
0x41: {  	_ =	shalt  }
0x42: {  	_ =	shalt  }
0x43: {  	_ =	shalt  }
0x44: {  	_ =	shalt  }
0x45: {  	_ =	shalt  }
0x46: {  	_ =	shalt  }
0x47: {  	_ =	shalt  }
0x48: {  	_ =	shalt  }
0x49: {  	_ =	shalt  }
0x4a: {  	_ =	shalt  }
0x4b: {  	_ =	shalt  }
0x4c: {  	_ =	shalt  }
0x4d: {  	_ =	shalt  }
0x4e: {  	_ =	shalt  }
0x4f: {  	_ =	shalt  }
0x50: {  	_ =	shalt  }
0x51: {  	_ =	shalt  }
0x52: {  	_ =	shalt  }
0x53: {  	_ =	shalt  }
0x54: {  	_ =	shalt  }
0x55: {  	_ =	shalt  }
0x56: {  	_ =	shalt  }
0x57: {  	_ =	shalt  }
0x58: {  	_ =	shalt  }
0x59: {  	_ =	shalt  }
0x5a: {  	_ =	shalt  }
0x5b: {  	_ =	shalt  }
0x5c: {  	_ =	shalt  }
0x5d: {  	_ =	shalt  }
0x5e: {  	_ =	shalt  }
0x5f: {  	_ =	shalt  }
0x60: {  	_ =	shalt  }
0x61: {  	_ =	shalt  }
0x62: {  	_ =	shalt  }
0x63: {  	_ =	shalt  }
0x64: {  	_ =	shalt  }
0x65: {  	_ =	shalt  }
0x66: {  	_ =	shalt  }
0x67: {  	_ =	shalt  }
0x68: {  	_ =	shalt  }
0x69: {  	_ =	shalt  }
0x6a: {  	_ =	shalt  }
0x6b: {  	_ =	shalt  }
0x6c: {  	_ =	shalt  }
0x6d: {  	_ =	shalt  }
0x6e: {  	_ =	shalt  }
0x6f: {  	_ =	shalt  }
0x70: {  	_ =	shalt  }
0x71: {  	_ =	shalt  }
0x72: {  	_ =	shalt  }
0x73: {  	_ =	shalt  }
0x74: {  	_ =	shalt  }
0x75: {  	_ =	shalt  }
0x76: {  	_ =	shalt  }
0x77: {  	_ =	shalt  }
0x78: {  	_ =	shalt  }
0x79: {  	_ =	shalt  }
0x7a: {  	_ =	shalt  }
0x7b: {  	_ =	shalt  }
0x7c: {  	_ =	shalt  }
0x7d: {  	_ =	shalt  }
0x7e: {  	_ =	shalt  }
0x7f: {  	_ =	shalt  }
0x80: {  	_ =	shalt  }
0x81: {  	_ =	shalt  }
0x82: {  	_ =	shalt  }
0x83: {  	_ =	shalt  }
0x84: {  	_ =	shalt  }
0x85: {  	_ =	shalt  }
0x86: {  	_ =	shalt  }
0x87: {  	_ =	shalt  }
.Lfunc_end0:
.L_simem_size_0:
called_computation_lowered:
.L_overlay_start_0:
0x88: {  	s2 =	sld [smem:$0x3FD9]  }
0x89: {  	s3 =	sld [smem:$0x3FFE];
	_ =	sdelay $0x1  }
0x8a: {  	s1 =	srdreg.scid  }
0x8b: {  	s0 =	sand.u32 $0x1, s1  }
0x8c: {  	s17 =	sshll.u32 s0, $0xA;
	s2 =	sadd.s32 s3, s2  }
0x8d: {  	s2 =	sadd.s32 s2, s17  }
0x8e: {  	[smem:$0x3FB3] =	sst s2  }
0x8f: {  	_ = 	snop  }
0x90: {  	s2 =	sld [smem:$0x3FD0];
	(tm) =	ssettm $0x1  }
0x91: {  	s18 =	sld [smem:$0x3FFB];
	_ =	sdelay $0x3  }
0x92: {  	_ =	strace s18  }
0x93: {  	s3 =	sld [smem:$0x3FFC];
	_ =	sdelay $0x3  }
0x94: {  	_ =	strace s3  }
0x95: {  	s3 =	sld [smem:$0x3FFD];
	_ =	sdelay $0x3  }
0x96: {  	_ =	strace s3  }
0x97: {  	_ =	strace $0x8FFFFFFF  }
0x98: {  	s19 =	sld [smem:$0x3FDB];
	_ =	sdelay $0x1  }
0x99: {  	s4 =	simm.s32 $_scs_section_size  }
0x9a: {  	s5 =	simm.s32 $_size__tile_overlayer_lowered;
	s6 =	simm.s32 $_tile_overlayer_lowered  }
0x9b: {  	s22 =	simm.s32 $0x1BFF;
	s21 =	sshll.u32 s6, $0x1;
	s3 =	sadd.s32 s4, s19  }
0x9c: {  	s7 =	simm.s32 $0x0;
	s20 =	sshll.u32 s5, $0x1;
	s5 =	sadd.s32 s21, s3  }
0x9d: {  	[timem:s7], [sflag:s22] =	dma.local [hbm:s5], s20  }
0x9e: {  	_ =	swait.ge [sflag:s22], s20  }
0x9f: {  	s4 =	ssub.s32 $0x0, s20;
	[sflag:s22] =	ssyncset.done $0x0  }
0xa0: {  	[sflag:s22] =	ssyncadd.s32 s4;
	_ =	sdelay $0x1  }
0xa1: {  	s23 =	simm.s32 $0x1B8B  }
0xa2: {  	_ =	swait.ge [sflag:s23], $0x1  }
0xa3: {  	[sflag:s23] =	ssyncset.done $0x0  }
0xa4: {  	s25 =	simm.s32 $0x1B8E;
	s24 =	sld [smem:$0x3FFE];
	[sflag:s23] =	ssyncadd.s32 $0xFFFFFFFF  }
0xa5: {  	s26 =	simm.s32 $execute0_lowered;
	[smem:$0x3FD2] =	sst s25  }
0xa6: {  	s5 =	sshll.u32 s26, $0x1;
	_ =	strace $0x80000046;
	[dreg:$0x1] =	wrdreg $0xFFFFFFFF  }
0xa7: {  	s28 =	simm.s32 $_size_execute0_lowered;
	s3 =	sadd.s32 s3, s5;
	[dreg:$0x0] =	wrdreg $0x0  }
0xa8: {  	s5 =	sshll.u32 s28, $0x1;
	[dreg:$0x2] =	wrdreg s3  }
0xa9: {  	[dreg:$0x3] =	wrdreg s5  }
0xaa: {  	[dreg:$0x4] =	wrdreg $0xC0  }
0xab: {  	_ =	task [dreg:s7], $0x5FFFF  }
0xac: {  	[dreg:$0x1] =	wrdreg $0xFFFFFFFF  }
0xad: {  	[dreg:$0x0] =	wrdreg $0x60  }
0xae: {  	[dreg:$0x2] =	wrdreg s2  }
0xaf: {  	[dreg:$0x3] =	wrdreg s24  }
0xb0: {  	[dreg:$0x4] =	wrdreg $0x9  }
0xb1: {  	_ =	task.clear_ibuf [dreg:s7], $0x5FFFF;
	_ =	strace $0x90000046  }
0xb2: {  	s29 =	simm.s32 $0x9;
	_ =	strace $0x80000048  }
0xb3: {  	_ =	swait.ge [sflag:s29], $0x1  }
0xb4: {  	[sflag:s29] =	ssyncadd.s32 $0xFFFFFFFF  }
0xb5: {  	_ =	strace $0x90000048  }
0xb6: {  	_ =	sfence  }
0xb7: {  	s30 =	sld [smem:$0x0];
	_ =	sdelay $0x2  }
0xb8: {  	s31 =	sshll.u32 s1, $0xD;
	s1 =	sshrl.u32 s1, $0x2  }
0xb9: {  	s3 =	sand.u32 $0x4000, s31;
	s1 =	sadd.s32 s1, s30  }
0xba: {  	s0 =	sor.u32 s3, s0;
	s1 =	sshll.u32 s1, $0x11  }
0xbb: {  	s0 =	sor.u32 s1, s0  }
0xbc: {  	s0 =	sadd.s32 $0x8F2B, s0  }
0xbd: {  	[sflag:s0] =	ssyncadd.remote.s32 $0x1  }
0xbe: {  	_ =	sfence.sel $0xFFFF  }
0xbf: {  	[dreg:$0x0] =	wrdreg $0xFFFFFFFF;
	(pc) =	sbr.abs _section_cstart, $3  }
0xc0: {  	[dreg:$0x1] =	wrdreg $0xFFFFFFFF  }
0xc1: {  	_ =	task.clear_ibuf [dreg:s7], $0x2FFFF;
	_ =	strace $0x9FFFFFFF  }
0xc2: {  	(tm) =	ssettm $0x7FFFFFFF  }
0xc3: {  	_ =	shalt  }
tec
execute0_lowered:
.L_overlay_start_1:
0x0: {  	(tag) =	ssettag $0x1  }
0x1: {  	s2 =	rddreg [dreg:$0x0];
	s0 =	srdreg.scid  }
0x2: {  	s10 =	stileid.u32;
	s1 =	rddreg [dreg:$0x1]  }
0x3: {  	s3 =	simm.s32 $0x0;
	s12 =	simm.s32 $0x9;
	s13 =	simm.s32 $0x4000  }
0x4: {  	s14 =	simm.s32 $0x50;
	s15 =	simm.s32 $0x8000;
	s16 =	simm.s32 $0x12000  }
0x5: {  	s30 =	simm.s32 $0x1;
	s31 =	simm.s32 $0x5;
	s0 =	sand.u32 $0x1, s0  }
0x6: {  	s4 =	sshll.u32 s10, $0x1;
	[smem:$0x7FF] =	sst s3;
	s8 =	sadd.s32 $0x4BA00, s1  }
0x7: {  	s10 =	smul.u32 $0x4E200, s10;
	s5 =	sor.u32 s0, s4;
	_ =	strace $0x80000047  }
0x8: {  	s4 =	sadd.s32 $0x24800, s1;
	s7 =	ssub.s32 $0x2, s0;
	s0 =	smul.u32 $0x27100, s0  }
0x9: {  	s6 =	sshll.u32 s5, $0xB;
	s9 =	smul.u32 $0x27100, s5;
	s29 =	sshrl.u32 s7, $0x1  }
0xa: {  	s11 =	sadd.s32 s10, s8;
	s6 =	sadd.s32 s6, s1;
	s1 =	sadd.s32 $0x52DA00, s1  }
0xb: {  	s7 =	ssub.s32 s7, s29;
	s11 =	sadd.s32 s0, s11;
	s5 =	sadd.s32 $0x14800, s6  }
0xc: {  	s6 =	sadd.s32 $0x4800, s6;
	s7 =	smax.u32 s7, $0x1;
	s10 =	sadd.s32 s10, s1  }
0xd: {  	s8 =	sadd.s32 s8, s9;
	s9 =	sadd.s32 s1, s9;
	s0 =	sadd.s32 s0, s10  }
0xe: {  	s17 =	sadd.s32 $0x500, s11;
	s1 =	simm.s32 $0x0;
	s22 =	sadd.s32 $0x500, s0  }
.LBB2_1:
0xf: {  	[tilespmem:s3], [sflag:$0x9] =	stream.linear.gather [hbm4b:s5+s3], $0x3E80, $0x38;
	[tilespmem:$0x1C000] =	vst v63  }
0x10: {  	_ =	swait.ge [sflag:s12], $0x3E80  }
0x11: {  	[sflag:s12] =	ssyncset.done $0x0  }
0x12: {  	[sflag:s12] =	ssyncadd.s32 $0xFFFFC180  }
0x13: {  	[tilespmem:s13], [sflag:$0x9] =	stream.linear.gather [hbm4b:s6+s3], $0x3E80, $0x38;
	[tilespmem:$0x1C000] =	vst v63  }
0x14: {  	_ =	swait.ge [sflag:s12], $0x3E80  }
0x15: {  	[sflag:s12] =	ssyncset.done $0x0  }
0x16: {  	[sflag:s12] =	ssyncadd.s32 $0xFFFFC180  }
0x17: {  	[tilespmem:s15], [sflag:$0x1] =	stream.indirect.gather [hbm4b:s2+s14], $0x80, s3, s14, $0xb8;
	[tilespmem:$0x1C000] =	vst v63  }
0x18: {  	_ = 	snop  }
0x19: {  	[tilespmem:s16], [sflag:$0x1] =	stream.indirect.gather [hbm4b:s4+s14], $0x80, s13, s14, $0xb8;
	[tilespmem:$0x1C000] =	vst v63  }
0x1a: {  	s0 =	simm.s32 $0x80;
	s10 =	simm.s32 $0xA800  }
0x1b: {  	[tilespmem:s10], [sflag:$0x2] =	stream.indirect.gather [hbm4b:s2+s14], $0x80, s0, s14, $0xb8;
	[tilespmem:$0x1C000] =	vst v63  }
0x1c: {  	s25 =	simm.s32 $0x4080;
	s26 =	simm.s32 $0x14800  }
0x1d: {  	[tilespmem:s26], [sflag:$0x2] =	stream.indirect.gather [hbm4b:s4+s14], $0x80, s25, s14, $0xb8;
	[tilespmem:$0x1C000] =	vst v63  }
0x1e: {  	s28 =	simm.s32 $0x100;
	s29 =	simm.s32 $0xD000  }
0x1f: {  	[tilespmem:s29], [sflag:$0x3] =	stream.indirect.gather [hbm4b:s2+s14], $0x80, s28, s14, $0xb8;
	[tilespmem:$0x1C000] =	vst v63  }
0x20: {  	s11 =	simm.s32 $0x4100;
	s18 =	simm.s32 $0x17000  }
0x21: {  	[tilespmem:s18], [sflag:$0x3] =	stream.indirect.gather [hbm4b:s4+s14], $0x80, s11, s14, $0xb8;
	[tilespmem:$0x1C000] =	vst v63  }
0x22: {  	s19 =	simm.s32 $0x180;
	s20 =	simm.s32 $0xF800  }
0x23: {  	[tilespmem:s20], [sflag:$0x4] =	stream.indirect.gather [hbm4b:s2+s14], $0x80, s19, s14, $0xb8;
	[tilespmem:$0x1C000] =	vst v63  }
0x24: {  	s21 =	simm.s32 $0x4180;
	s23 =	simm.s32 $0x19800  }
0x25: {  	[tilespmem:s23], [sflag:$0x4] =	stream.indirect.gather [hbm4b:s4+s14], $0x80, s21, s14, $0xb8;
	[tilespmem:$0x1C000] =	vst v63  }
0x26: {  	_ =	swait.ge [sflag:s30], $0x2800  }
0x27: {  	[sflag:s30] =	ssyncset.done $0x0  }
0x28: {  	[sflag:s30] =	ssyncadd.s32 $0xFFFFD800  }
0x29: {  	_ =	swait.ge [sflag:s30], $0x2800  }
0x2a: {  	s24 =	simm.s32 $0x4;
	[sflag:s30] =	ssyncset.done $0x0  }
0x2b: {  	s0 =	sand.u32 $0x3, s24;
	[sflag:s30] =	ssyncadd.s32 $0xFFFFD800  }
0x2c: {  	[hbm4b:s8+s3] =	stream.linear.scatter [tilespmem:s15], [sflag:$0x5], $0x2800, $0x38;
	[tilespmem:$0x1C000] =	vst v63  }
0x2d: {  	s25 =	sadd.s32 $0x5, s0  }
0x2e: {  	[hbm4b:s9+s3] =	stream.linear.scatter [tilespmem:s16], [sflag:$0x5], $0x2800, $0x38;
	[tilespmem:$0x1C000] =	vst v63  }
0x2f: {  	_ =	swait.ge [sflag:s25], $0x2800  }
0x30: {  	p0 =	por $0x0, $0x0;
	[sflag:s25] =	ssyncset.done $0x0  }
0x31: {  	s11 =	simm.s32 $0x200;
	s18 =	simm.s32 $0x1;
	[sflag:s25] =	ssyncadd.s32 $0xFFFFD800  }
0x32: {  	s18 =	sand.u32 $0x3, s18;
	s19 =	smul.u32 @!p0 $0x2800, s0;
	_ =	swait.ge [sflag:s25], $0x2800  }
0x33: {  	s20 =	simm.s32 @!p0 $0x50;
	s0 =	sadd.s32 @!p0 $0x1, s0;
	[sflag:s25] =	ssyncset.done $0x0  }
0x34: {  	s26 =	sadd.s32 $0x1, s18;
	s10 =	sor.u32 @!p0 $0x8000, s19;
	[sflag:s25] =	ssyncadd.s32 $0xFFFFD800  }
0x35: {  	[tilespmem:s10], [sflag:s0] =	stream.indirect.gather @!p0 [hbm4b:s2+s20], $0x80, s11, s20, $0xb8;
	[tilespmem:$0x1C000] =	vst v63  }
0x36: {  	s28 =	smul.u32 $0x2800, s18;
	s10 =	simm.s32 $0x4200;
	s11 =	sadd.s32 @!p0 $0x12000, s19  }
0x37: {  	[tilespmem:s11], [sflag:s0] =	stream.indirect.gather @!p0 [hbm4b:s4+s20], $0x80, s10, s20, $0xb8;
	[tilespmem:$0x1C000] =	vst v63  }
0x38: {  	s24 =	sadd.s32 $0x5, s18;
	_ =	swait.ge [sflag:s26], $0x2800  }
0x39: {  	s18 =	simm.s32 $0x4280;
	s29 =	sor.u32 $0x8000, s28;
	[sflag:s26] =	ssyncset.done $0x0  }
0x3a: {  	s21 =	simm.s32 $0x6;
	s25 =	sadd.s32 $0x12000, s28;
	[sflag:s26] =	ssyncadd.s32 $0xFFFFD800  }
0x3b: {  	s19 =	simm.s32 $0x280;
	s20 =	simm.s32 $0x5;
	_ =	swait.ge [sflag:s26], $0x2800  }
0x3c: {  	s0 =	sadd.s32 $0x500, s22;
	s10 =	smov.u32 s17;
	[sflag:s26] =	ssyncset.done $0x0  }
0x3d: {  	s11 =	smov.u32 s22;
	s23 =	sand.u32 $0x3, s20;
	[sflag:s26] =	ssyncadd.s32 $0xFFFFD800  }
0x3e: {  	[hbm4b:s17+s3] =	stream.linear.scatter [tilespmem:s29], [sflag:s24], $0x2800, $0x38;
	[tilespmem:$0x1C000] =	vst v63  }
.LBB2_2:
0x3f: {  	s26 =	sadd.s32 $0x5, s23  }
0x40: {  	s10 =	sadd.s32 $0x500, s10;
	s28 =	smov.u32 s21;
	s21 =	sadd.s32 $0x1, s21  }
0x41: {  	[hbm4b:s11+s3] =	stream.linear.scatter [tilespmem:s25], [sflag:s24], $0x2800, $0x38;
	[tilespmem:$0x1C000] =	vst v63  }
0x42: {  	p0 =	sne.s32 s21, $0x80;
	s11 =	smov.u32 s0;
	_ =	swait.ge [sflag:s26], $0x2800  }
0x43: {  	s24 =	sadd.s32 $0xFFFFFFFD, s20;
	s20 =	smov.u32 s28;
	[sflag:s26] =	ssyncset.done $0x0  }
0x44: {  	s28 =	sand.u32 $0x3, s24;
	p1 =	sgt.u32 s24, $0x79;
	[sflag:s26] =	ssyncadd.s32 $0xFFFFD800  }
0x45: {  	s24 =	smul.u32 @!p1 $0x2800, s23;
	_ =	swait.ge [sflag:s26], $0x2800  }
0x46: {  	s25 =	simm.s32 @!p1 $0x50;
	s29 =	smul.u32 $0x2800, s28;
	[sflag:s26] =	ssyncset.done $0x0  }
0x47: {  	s23 =	sadd.s32 @!p1 $0x1, s23;
	[sflag:s26] =	ssyncadd.s32 $0xFFFFD800;
	s26 =	sor.u32 @!p1 $0x8000, s24  }
0x48: {  	[tilespmem:s26], [sflag:s23] =	stream.indirect.gather @!p1 [hbm4b:s2+s25], $0x80, s19, s25, $0xb8;
	[tilespmem:$0x1C000] =	vst v63  }
0x49: {  	s24 =	sadd.s32 @!p1 $0x12000, s24;
	s26 =	sadd.s32 $0x1, s28  }
0x4a: {  	[tilespmem:s24], [sflag:s23] =	stream.indirect.gather @!p1 [hbm4b:s4+s25], $0x80, s18, s25, $0xb8;
	[tilespmem:$0x1C000] =	vst v63  }
0x4b: {  	_ =	swait.ge [sflag:s26], $0x2800  }
0x4c: {  	[sflag:s26] =	ssyncset.done $0x0  }
.Ltmp0:
0x4d: {  	s18 =	sadd.s32 $0x80, s18;
	[sflag:s26] =	ssyncadd.s32 $0xFFFFD800;
	(pc) =	sbr.rel @p0 .LBB2_2-.Ltmp0, $4  }
0x4e: {  	s0 =	sadd.s32 $0x500, s0;
	s19 =	sadd.s32 $0x80, s19;
	_ =	swait.ge [sflag:s26], $0x2800  }
0x4f: {  	s25 =	sadd.s32 $0x12000, s29;
	s24 =	sadd.s32 $0x5, s28;
	[sflag:s26] =	ssyncset.done $0x0  }
0x50: {  	s23 =	sand.u32 $0x3, s20;
	[sflag:s26] =	ssyncadd.s32 $0xFFFFD800;
	s26 =	sor.u32 $0x8000, s29  }
0x51: {  	[hbm4b:s10+s3] =	stream.linear.scatter [tilespmem:s26], [sflag:s24], $0x2800, $0x38;
	[tilespmem:$0x1C000] =	vst v63  }
0x52: {  	s21 =	sadd.s32 $0x5, s23  }
0x53: {  	[hbm4b:s11+s3] =	stream.linear.scatter [tilespmem:s25], [sflag:s24], $0x2800, $0x38;
	[tilespmem:$0x1C000] =	vst v63  }
0x54: {  	_ =	swait.ge [sflag:s21], $0x2800  }
0x55: {  	s24 =	sadd.s32 $0xFFFFFFFD, s20;
	[sflag:s21] =	ssyncset.done $0x0  }
0x56: {  	p0 =	sgt.u32 s24, $0x79;
	[sflag:s21] =	ssyncadd.s32 $0xFFFFD800  }
0x57: {  	s20 =	smul.u32 @!p0 $0x2800, s23;
	_ =	swait.ge [sflag:s21], $0x2800  }
0x58: {  	s11 =	sand.u32 $0x3, s24;
	s24 =	simm.s32 @!p0 $0x50;
	[sflag:s21] =	ssyncset.done $0x0  }
0x59: {  	s23 =	sadd.s32 @!p0 $0x1, s23;
	[sflag:s21] =	ssyncadd.s32 $0xFFFFD800;
	s21 =	sor.u32 @!p0 $0x8000, s20  }
0x5a: {  	[tilespmem:s21], [sflag:s23] =	stream.indirect.gather @!p0 [hbm4b:s2+s24], $0x80, s19, s24, $0xb8;
	[tilespmem:$0x1C000] =	vst v63  }
0x5b: {  	s25 =	sadd.s32 $0x1, s11;
	s19 =	sadd.s32 @!p0 $0x12000, s20  }
0x5c: {  	[tilespmem:s19], [sflag:s23] =	stream.indirect.gather @!p0 [hbm4b:s4+s24], $0x80, s18, s24, $0xb8;
	[tilespmem:$0x1C000] =	vst v63  }
0x5d: {  	_ =	swait.ge [sflag:s25], $0x2800  }
0x5e: {  	[sflag:s25] =	ssyncset.done $0x0  }
0x5f: {  	[sflag:s25] =	ssyncadd.s32 $0xFFFFD800  }
0x60: {  	s26 =	smul.u32 $0x2800, s11;
	_ =	swait.ge [sflag:s25], $0x2800  }
0x61: {  	s10 =	sadd.s32 $0x500, s10;
	[sflag:s25] =	ssyncset.done $0x0  }
0x62: {  	s11 =	sadd.s32 $0x5, s11;
	s28 =	sor.u32 $0x8000, s26;
	[sflag:s25] =	ssyncadd.s32 $0xFFFFD800  }
0x63: {  	[hbm4b:s10+s3] =	stream.linear.scatter [tilespmem:s28], [sflag:s11], $0x2800, $0x38;
	[tilespmem:$0x1C000] =	vst v63  }
0x64: {  	s1 =	sadd.s32 $0x1, s1;
	s29 =	sadd.s32 $0x12000, s26  }
0x65: {  	[hbm4b:s0+s3] =	stream.linear.scatter [tilespmem:s29], [sflag:s11], $0x2800, $0x38;
	[tilespmem:$0x1C000] =	vst v63  }
0x66: {  	p0 =	sne.s32 s1, s7;
	_ =	swait.ge [sflag:s31], $0x2800  }
.Ltmp1:
0x67: {  	[sflag:s31] =	ssyncset.done $0x0;
	(pc) =	sbr.rel @p0 .LBB2_1-.Ltmp1, $4  }
0x68: {  	[sflag:s31] =	ssyncadd.s32 $0xFFFFD800  }
0x69: {  	_ =	swait.ge [sflag:s31], $0x2800  }
0x6a: {  	[sflag:s31] =	ssyncset.done $0x0  }
0x6b: {  	[sflag:s31] =	ssyncadd.s32 $0xFFFFD800  }
0x6c: {  	_ =	sfence.sel $0x180000  }
0x6d: {  	[bflag:$0x0] =	sbarrier.arrive $0xFFFF  }
0x6e: {  	_ =	strace $0x90000047  }
0x6f: {  	s0 =	stileid.u32;
	[bflag:$0x2] =	sbarrier.arrive $0xFFFF  }
0x70: {  	p0 =	sne.s32 s0, $0x0;
	s0 =	rddreg [dreg:$0x2]  }
0x71: {  	s0 =	sadd.s32 @!p0 $0x100000, s0  }
0x72: {  	[sflag:s0] =	ssyncadd.tile.s32 @!p0 $0x1;
	_ =	shalt  }
.Lfunc_end2:
_tile_overlayer_lowered:
.L_overlay_start_2:
0x73: {  	(tag) =	ssettag $0x2  }
0x74: {  	s0 =	rddreg [dreg:$0x0];
	s2 =	stileid.u32  }
0x75: {  	s1 =	rddreg [dreg:$0x1];
	p0 =	sne.s32 s2, $0x0  }
0x76: {  	s3 =	rddreg [dreg:$0x2];
	[bflag:$0x3] =	sbarrier.arrive $0xFFFF;
	s2 =	simm.s32 @!p0 $0x1C09  }
0x77: {  	[timem:s3], [sflag:s2] =	dma.local @!p0 [hbm:s0], s1  }
0x78: {  	s0 =	simm.s32 @!p0 $0x9  }
0x79: {  	_ =	swait.ge @!p0 [sflag:s0], s1  }
0x7a: {  	s1 =	ssub.s32 @!p0 $0x0, s1;
	[sflag:s0] =	ssyncset.done @!p0 $0x0  }
0x7b: {  	[sflag:s0] =	ssyncadd.s32 @!p0 s1  }
0x7c: {  	[bflag:$0x3] =	sbarrier.arrive $0xFFFF  }
0x7d: {  	_ =	shalt  }

</sc_bundles>
